<compile_context>
chip_gen: v7x
topology: tpu7x:2x2x1
jax: 0.10.2.dev20260603
libtpu: 0.0.44.dev20260713+nightly
codegen_flags: <defaults>
</compile_context>

<pallas_src>
import functools

import jax
import jax.numpy as jnp
from jax import lax
from jax.experimental import pallas as pl
from jax.experimental.pallas import tpu as pltpu
from jax.experimental.pallas import tpu_sc as plsc

_NC = 2
_NS = 16
_NW = _NC * _NS

_NBUF = 8


@functools.partial(jax.jit, static_argnames=("b", "s", "d"))
def _embed(x, table, b, s, d):
    rows_per_w = b // _NW
    nch = rows_per_w
    mesh = plsc.VectorSubcoreMesh(
        core_axis_name="c", subcore_axis_name="s",
        num_cores=_NC, num_subcores=_NS)

    @functools.partial(
        pl.kernel,
        out_type=jax.ShapeDtypeStruct((b * s, 2 * d), jnp.float32),
        mesh=mesh,
        scratch_types=[
            pltpu.VMEM((rows_per_w, s), jnp.int32),
            pltpu.VMEM((_NBUF, s, d), jnp.float32),
            pltpu.SemaphoreType.DMA((_NBUF,)),
            pltpu.SemaphoreType.DMA((_NBUF,)),
        ],
        compiler_params=pltpu.CompilerParams(use_tc_tiling_on_sc=False),
    )
    def k(x_hbm, table_hbm, out_hbm, idx_v, rows_v, gsem, wsem):
        wid = lax.axis_index("s") * _NC + lax.axis_index("c")
        row0 = wid * rows_per_w
        pltpu.sync_copy(x_hbm.at[pl.ds(row0, rows_per_w)], idx_v)

        def start_gather(j, bb):
            pltpu.async_copy(
                table_hbm.at[idx_v.at[j]], rows_v.at[bb], gsem.at[bb])

        def wait_gather(bb):
            pltpu.make_async_copy(
                table_hbm.at[pl.ds(0, s)], rows_v.at[bb], gsem.at[bb]
            ).wait()

        def start_write(j, bb):
            pltpu.async_copy(
                rows_v.at[bb],
                out_hbm.at[pl.ds((row0 + j) * s, s), pl.ds(0, d)],
                wsem.at[bb])

        def wait_write(bb):
            pltpu.make_async_copy(
                rows_v.at[bb], out_hbm.at[pl.ds(0, s), pl.ds(0, d)],
                wsem.at[bb]
            ).wait()

        for bb in range(_NBUF):
            start_gather(bb, bb)

        def body(jj, carry):
            j0 = jj * _NBUF
            for bb in range(_NBUF):
                wait_gather(bb)
                start_write(j0 + bb, bb)
            for bb in range(_NBUF):
                wait_write(bb)

                @pl.when(j0 + _NBUF + bb < nch)
                def _():
                    start_gather(j0 + _NBUF + bb, bb)

            return carry

        lax.fori_loop(0, nch // _NBUF, body, 0)

    return k(x, table)


def kernel(x, table):
    b, s = x.shape
    d = table.shape[1]
    out = _embed(x.astype(jnp.int32), table, b, s, d)
    return out.reshape(b, s, 2 * d)[:, :, :d]

# --- scband reference (transcript-rebuilt; emitter-appended) ---
"""Pipeline reference for scband-token-embeddings-16655883174085 (READ-ONLY COPY).

The authoritative reference and input builder live on the scoring server;
editing this copy changes nothing except your own understanding.
"""

import jax, jax.numpy as jnp
import numpy as np

VOCAB_SIZE = 1000000
EMB_SIZE = 64
BATCH = 4096
SEQ_LEN = 200


def setup_inputs(seed: int = 0) -> dict:
    key = jax.random.key(seed)
    k_idx, k_tab = jax.random.split(key)
    x = jax.random.randint(k_idx, (BATCH, SEQ_LEN), 0, VOCAB_SIZE, dtype=jnp.int64 if jax.config.read('jax_enable_x64') else jnp.int32)
    table = jax.random.normal(k_tab, (VOCAB_SIZE, EMB_SIZE), dtype=jnp.float32)
    return {"x": x, "table": table}


def reference(x, table):
    # TokenEmbeddings.forward: nn.Embedding lookup -> gather rows of the table
    return jnp.take(table, x, axis=0)

if __name__ == "__main__":
    import jax
    _d = setup_inputs()
    print(jax.jit(kernel)(*tuple(_d.values())))

</pallas_src>

<mosaic_0001>
#map = affine_map<(d0, d1) -> (0, 0)>
module attributes {stable_mosaic.version = 14 : i64} {
  func.func @k(%arg0: i32, %arg1: i32, %arg2: memref<4096x200xi32, #tpu.memory_space<hbm>>, %arg3: memref<1000000x64xf32, #tpu.memory_space<hbm>>, %arg4: memref<819200x128xf32, #tpu.memory_space<hbm>>, %arg5: memref<128x200xi32, #tpu.memory_space<vmem>>, %arg6: memref<8x200x64xf32, #tpu.memory_space<vmem>>, %arg7: memref<8x!tpu.dma_semaphore, #tpu.memory_space<semaphore_mem>>, %arg8: memref<8x!tpu.dma_semaphore, #tpu.memory_space<semaphore_mem>>) attributes {dimension_semantics = [#tpu.dimension_semantics<core_parallel>, #tpu.dimension_semantics<subcore_parallel>], iteration_bounds = array<i64: 2, 16>, scalar_prefetch = 0 : i64, scratch_operands = 4 : i64, tpu.core_type = #tpu.core_type<sc_vector_subcore>, window_params = [{transform_indices = #map}, {transform_indices = #map}, {transform_indices = #map}]} {
    %mul3A = arith.constant 2 : i32
    %mul3A_0 = arith.muli %arg1, %mul3A : i32
    %add3A = arith.addi %mul3A_0, %arg0 : i32
    %mul3A_1 = arith.constant 128 : i32
    %mul3A_2 = arith.muli %add3A, %mul3A_1 : i32
    "tpu.region"() ({
      %run_scoped3A = tpu.sem_alloc : memref<!tpu.dma_semaphore, #tpu.memory_space<semaphore_mem>>
      %dma_start3A_127 = arith.constant 0 : i32
      %dma_start3A_128 = tpu.memref_slice %arg2[%mul3A_2, %dma_start3A_127] : memref<4096x200xi32, #tpu.memory_space<hbm>> -> memref<128x200xi32, #tpu.memory_space<hbm>>
      %dma_start3A_129 = arith.constant 0 : i32
      %dma_start3A_130 = tpu.memref_slice %arg2[%mul3A_2, %dma_start3A_129] : memref<4096x200xi32, #tpu.memory_space<hbm>> -> memref<128x200xi32, #tpu.memory_space<hbm>>
      tpu.enqueue_dma source(%dma_start3A_130 : memref<128x200xi32, #tpu.memory_space<hbm>>) target(%arg5 : memref<128x200xi32, #tpu.memory_space<vmem>>) target_semaphore(%run_scoped3A : memref<!tpu.dma_semaphore, #tpu.memory_space<semaphore_mem>>)
      %dma_wait3A = arith.constant 0 : i32
      %dma_wait3A_131 = tpu.memref_slice %arg2[%mul3A_2, %dma_wait3A] : memref<4096x200xi32, #tpu.memory_space<hbm>> -> memref<128x200xi32, #tpu.memory_space<hbm>>
      %dma_wait3A_132 = arith.constant 0 : i32
      %dma_wait3A_133 = tpu.memref_slice %arg2[%mul3A_2, %dma_wait3A_132] : memref<4096x200xi32, #tpu.memory_space<hbm>> -> memref<128x200xi32, #tpu.memory_space<hbm>>
      tpu.wait_dma2 semaphore(%run_scoped3A : memref<!tpu.dma_semaphore, #tpu.memory_space<semaphore_mem>>) src(%dma_wait3A_133 : memref<128x200xi32, #tpu.memory_space<hbm>>) dst(%arg5 : memref<128x200xi32, #tpu.memory_space<vmem>>)
      tpu.yield
    }) : () -> ()
    %dma_start3A = arith.constant 0 : i32
    %dma_start3A_3 = arith.constant 0 : i32
    %dma_start3A_4 = arith.constant 0 : i32
    %dma_start3A_5 = arith.constant 0 : i32
    %dma_start3A_6 = arith.constant 0 : i32
    %dma_start3A_7 = tpu.memref_slice %arg6[%dma_start3A_3, %dma_start3A_5, %dma_start3A_6] : memref<8x200x64xf32, #tpu.memory_space<vmem>> -> memref<1x200x64xf32, #tpu.memory_space<vmem>>
    %dma_start3A_8 = tpu.memref_squeeze %dma_start3A_7 : memref<1x200x64xf32, #tpu.memory_space<vmem>> -> memref<200x64xf32, #tpu.memory_space<vmem>>
    %dma_start3A_9 = arith.constant 0 : i32
    %dma_start3A_10 = tpu.memref_slice %arg5[%dma_start3A, %dma_start3A_9] : memref<128x200xi32, #tpu.memory_space<vmem>> -> memref<1x200xi32, #tpu.memory_space<vmem>>
    %dma_start3A_11 = tpu.memref_squeeze %dma_start3A_10 : memref<1x200xi32, #tpu.memory_space<vmem>> -> memref<200xi32, #tpu.memory_space<vmem>>
    %dma_start3A_12 = arith.constant 0 : i32
    %dma_start3A_13 = arith.constant 0 : i32
    %dma_start3A_14 = tpu.memref_slice %arg3[%dma_start3A_12, %dma_start3A_13] : memref<1000000x64xf32, #tpu.memory_space<hbm>> -> memref<1000000x64xf32, #tpu.memory_space<hbm>>
    %dma_start3A_15 = tpu.memref_slice %arg7[%dma_start3A_4] : memref<8x!tpu.dma_semaphore, #tpu.memory_space<semaphore_mem>> -> memref<1x!tpu.dma_semaphore, #tpu.memory_space<semaphore_mem>>
    %dma_start3A_16 = tpu.memref_squeeze %dma_start3A_15 : memref<1x!tpu.dma_semaphore, #tpu.memory_space<semaphore_mem>> -> memref<!tpu.dma_semaphore, #tpu.memory_space<semaphore_mem>>
    tpu.enqueue_indirect_dma source(%dma_start3A_14 : memref<1000000x64xf32, #tpu.memory_space<hbm>>) target(%dma_start3A_8 : memref<200x64xf32, #tpu.memory_space<vmem>>) offsets(%dma_start3A_11 : memref<200xi32, #tpu.memory_space<vmem>>) semaphore(%dma_start3A_16 : memref<!tpu.dma_semaphore, #tpu.memory_space<semaphore_mem>>)
    %dma_start3A_17 = arith.constant 1 : i32
    %dma_start3A_18 = arith.constant 1 : i32
    %dma_start3A_19 = arith.constant 1 : i32
    %dma_start3A_20 = arith.constant 0 : i32
    %dma_start3A_21 = arith.constant 0 : i32
    %dma_start3A_22 = tpu.memref_slice %arg6[%dma_start3A_18, %dma_start3A_20, %dma_start3A_21] : memref<8x200x64xf32, #tpu.memory_space<vmem>> -> memref<1x200x64xf32, #tpu.memory_space<vmem>>
    %dma_start3A_23 = tpu.memref_squeeze %dma_start3A_22 : memref<1x200x64xf32, #tpu.memory_space<vmem>> -> memref<200x64xf32, #tpu.memory_space<vmem>>
    %dma_start3A_24 = arith.constant 0 : i32
    %dma_start3A_25 = tpu.memref_slice %arg5[%dma_start3A_17, %dma_start3A_24] : memref<128x200xi32, #tpu.memory_space<vmem>> -> memref<1x200xi32, #tpu.memory_space<vmem>>
    %dma_start3A_26 = tpu.memref_squeeze %dma_start3A_25 : memref<1x200xi32, #tpu.memory_space<vmem>> -> memref<200xi32, #tpu.memory_space<vmem>>
    %dma_start3A_27 = arith.constant 0 : i32
    %dma_start3A_28 = arith.constant 0 : i32
    %dma_start3A_29 = tpu.memref_slice %arg3[%dma_start3A_27, %dma_start3A_28] : memref<1000000x64xf32, #tpu.memory_space<hbm>> -> memref<1000000x64xf32, #tpu.memory_space<hbm>>
    %dma_start3A_30 = tpu.memref_slice %arg7[%dma_start3A_19] : memref<8x!tpu.dma_semaphore, #tpu.memory_space<semaphore_mem>> -> memref<1x!tpu.dma_semaphore, #tpu.memory_space<semaphore_mem>>
    %dma_start3A_31 = tpu.memref_squeeze %dma_start3A_30 : memref<1x!tpu.dma_semaphore, #tpu.memory_space<semaphore_mem>> -> memref<!tpu.dma_semaphore, #tpu.memory_space<semaphore_mem>>
    tpu.enqueue_indirect_dma source(%dma_start3A_29 : memref<1000000x64xf32, #tpu.memory_space<hbm>>) target(%dma_start3A_23 : memref<200x64xf32, #tpu.memory_space<vmem>>) offsets(%dma_start3A_26 : memref<200xi32, #tpu.memory_space<vmem>>) semaphore(%dma_start3A_31 : memref<!tpu.dma_semaphore, #tpu.memory_space<semaphore_mem>>)
    %dma_start3A_32 = arith.constant 2 : i32
    %dma_start3A_33 = arith.constant 2 : i32
    %dma_start3A_34 = arith.constant 2 : i32
    %dma_start3A_35 = arith.constant 0 : i32
    %dma_start3A_36 = arith.constant 0 : i32
    %dma_start3A_37 = tpu.memref_slice %arg6[%dma_start3A_33, %dma_start3A_35, %dma_start3A_36] : memref<8x200x64xf32, #tpu.memory_space<vmem>> -> memref<1x200x64xf32, #tpu.memory_space<vmem>>
    %dma_start3A_38 = tpu.memref_squeeze %dma_start3A_37 : memref<1x200x64xf32, #tpu.memory_space<vmem>> -> memref<200x64xf32, #tpu.memory_space<vmem>>
    %dma_start3A_39 = arith.constant 0 : i32
    %dma_start3A_40 = tpu.memref_slice %arg5[%dma_start3A_32, %dma_start3A_39] : memref<128x200xi32, #tpu.memory_space<vmem>> -> memref<1x200xi32, #tpu.memory_space<vmem>>
    %dma_start3A_41 = tpu.memref_squeeze %dma_start3A_40 : memref<1x200xi32, #tpu.memory_space<vmem>> -> memref<200xi32, #tpu.memory_space<vmem>>
    %dma_start3A_42 = arith.constant 0 : i32
    %dma_start3A_43 = arith.constant 0 : i32
    %dma_start3A_44 = tpu.memref_slice %arg3[%dma_start3A_42, %dma_start3A_43] : memref<1000000x64xf32, #tpu.memory_space<hbm>> -> memref<1000000x64xf32, #tpu.memory_space<hbm>>
    %dma_start3A_45 = tpu.memref_slice %arg7[%dma_start3A_34] : memref<8x!tpu.dma_semaphore, #tpu.memory_space<semaphore_mem>> -> memref<1x!tpu.dma_semaphore, #tpu.memory_space<semaphore_mem>>
    %dma_start3A_46 = tpu.memref_squeeze %dma_start3A_45 : memref<1x!tpu.dma_semaphore, #tpu.memory_space<semaphore_mem>> -> memref<!tpu.dma_semaphore, #tpu.memory_space<semaphore_mem>>
    tpu.enqueue_indirect_dma source(%dma_start3A_44 : memref<1000000x64xf32, #tpu.memory_space<hbm>>) target(%dma_start3A_38 : memref<200x64xf32, #tpu.memory_space<vmem>>) offsets(%dma_start3A_41 : memref<200xi32, #tpu.memory_space<vmem>>) semaphore(%dma_start3A_46 : memref<!tpu.dma_semaphore, #tpu.memory_space<semaphore_mem>>)
    %dma_start3A_47 = arith.constant 3 : i32
    %dma_start3A_48 = arith.constant 3 : i32
    %dma_start3A_49 = arith.constant 3 : i32
    %dma_start3A_50 = arith.constant 0 : i32
    %dma_start3A_51 = arith.constant 0 : i32
    %dma_start3A_52 = tpu.memref_slice %arg6[%dma_start3A_48, %dma_start3A_50, %dma_start3A_51] : memref<8x200x64xf32, #tpu.memory_space<vmem>> -> memref<1x200x64xf32, #tpu.memory_space<vmem>>
    %dma_start3A_53 = tpu.memref_squeeze %dma_start3A_52 : memref<1x200x64xf32, #tpu.memory_space<vmem>> -> memref<200x64xf32, #tpu.memory_space<vmem>>
    %dma_start3A_54 = arith.constant 0 : i32
    %dma_start3A_55 = tpu.memref_slice %arg5[%dma_start3A_47, %dma_start3A_54] : memref<128x200xi32, #tpu.memory_space<vmem>> -> memref<1x200xi32, #tpu.memory_space<vmem>>
    %dma_start3A_56 = tpu.memref_squeeze %dma_start3A_55 : memref<1x200xi32, #tpu.memory_space<vmem>> -> memref<200xi32, #tpu.memory_space<vmem>>
    %dma_start3A_57 = arith.constant 0 : i32
    %dma_start3A_58 = arith.constant 0 : i32
    %dma_start3A_59 = tpu.memref_slice %arg3[%dma_start3A_57, %dma_start3A_58] : memref<1000000x64xf32, #tpu.memory_space<hbm>> -> memref<1000000x64xf32, #tpu.memory_space<hbm>>
    %dma_start3A_60 = tpu.memref_slice %arg7[%dma_start3A_49] : memref<8x!tpu.dma_semaphore, #tpu.memory_space<semaphore_mem>> -> memref<1x!tpu.dma_semaphore, #tpu.memory_space<semaphore_mem>>
    %dma_start3A_61 = tpu.memref_squeeze %dma_start3A_60 : memref<1x!tpu.dma_semaphore, #tpu.memory_space<semaphore_mem>> -> memref<!tpu.dma_semaphore, #tpu.memory_space<semaphore_mem>>
    tpu.enqueue_indirect_dma source(%dma_start3A_59 : memref<1000000x64xf32, #tpu.memory_space<hbm>>) target(%dma_start3A_53 : memref<200x64xf32, #tpu.memory_space<vmem>>) offsets(%dma_start3A_56 : memref<200xi32, #tpu.memory_space<vmem>>) semaphore(%dma_start3A_61 : memref<!tpu.dma_semaphore, #tpu.memory_space<semaphore_mem>>)
    %dma_start3A_62 = arith.constant 4 : i32
    %dma_start3A_63 = arith.constant 4 : i32
    %dma_start3A_64 = arith.constant 4 : i32
    %dma_start3A_65 = arith.constant 0 : i32
    %dma_start3A_66 = arith.constant 0 : i32
    %dma_start3A_67 = tpu.memref_slice %arg6[%dma_start3A_63, %dma_start3A_65, %dma_start3A_66] : memref<8x200x64xf32, #tpu.memory_space<vmem>> -> memref<1x200x64xf32, #tpu.memory_space<vmem>>
    %dma_start3A_68 = tpu.memref_squeeze %dma_start3A_67 : memref<1x200x64xf32, #tpu.memory_space<vmem>> -> memref<200x64xf32, #tpu.memory_space<vmem>>
    %dma_start3A_69 = arith.constant 0 : i32
    %dma_start3A_70 = tpu.memref_slice %arg5[%dma_start3A_62, %dma_start3A_69] : memref<128x200xi32, #tpu.memory_space<vmem>> -> memref<1x200xi32, #tpu.memory_space<vmem>>
    %dma_start3A_71 = tpu.memref_squeeze %dma_start3A_70 : memref<1x200xi32, #tpu.memory_space<vmem>> -> memref<200xi32, #tpu.memory_space<vmem>>
    %dma_start3A_72 = arith.constant 0 : i32
    %dma_start3A_73 = arith.constant 0 : i32
    %dma_start3A_74 = tpu.memref_slice %arg3[%dma_start3A_72, %dma_start3A_73] : memref<1000000x64xf32, #tpu.memory_space<hbm>> -> memref<1000000x64xf32, #tpu.memory_space<hbm>>
    %dma_start3A_75 = tpu.memref_slice %arg7[%dma_start3A_64] : memref<8x!tpu.dma_semaphore, #tpu.memory_space<semaphore_mem>> -> memref<1x!tpu.dma_semaphore, #tpu.memory_space<semaphore_mem>>
    %dma_start3A_76 = tpu.memref_squeeze %dma_start3A_75 : memref<1x!tpu.dma_semaphore, #tpu.memory_space<semaphore_mem>> -> memref<!tpu.dma_semaphore, #tpu.memory_space<semaphore_mem>>
    tpu.enqueue_indirect_dma source(%dma_start3A_74 : memref<1000000x64xf32, #tpu.memory_space<hbm>>) target(%dma_start3A_68 : memref<200x64xf32, #tpu.memory_space<vmem>>) offsets(%dma_start3A_71 : memref<200xi32, #tpu.memory_space<vmem>>) semaphore(%dma_start3A_76 : memref<!tpu.dma_semaphore, #tpu.memory_space<semaphore_mem>>)
    %dma_start3A_77 = arith.constant 5 : i32
    %dma_start3A_78 = arith.constant 5 : i32
    %dma_start3A_79 = arith.constant 5 : i32
    %dma_start3A_80 = arith.constant 0 : i32
    %dma_start3A_81 = arith.constant 0 : i32
    %dma_start3A_82 = tpu.memref_slice %arg6[%dma_start3A_78, %dma_start3A_80, %dma_start3A_81] : memref<8x200x64xf32, #tpu.memory_space<vmem>> -> memref<1x200x64xf32, #tpu.memory_space<vmem>>
    %dma_start3A_83 = tpu.memref_squeeze %dma_start3A_82 : memref<1x200x64xf32, #tpu.memory_space<vmem>> -> memref<200x64xf32, #tpu.memory_space<vmem>>
    %dma_start3A_84 = arith.constant 0 : i32
    %dma_start3A_85 = tpu.memref_slice %arg5[%dma_start3A_77, %dma_start3A_84] : memref<128x200xi32, #tpu.memory_space<vmem>> -> memref<1x200xi32, #tpu.memory_space<vmem>>
    %dma_start3A_86 = tpu.memref_squeeze %dma_start3A_85 : memref<1x200xi32, #tpu.memory_space<vmem>> -> memref<200xi32, #tpu.memory_space<vmem>>
    %dma_start3A_87 = arith.constant 0 : i32
    %dma_start3A_88 = arith.constant 0 : i32
    %dma_start3A_89 = tpu.memref_slice %arg3[%dma_start3A_87, %dma_start3A_88] : memref<1000000x64xf32, #tpu.memory_space<hbm>> -> memref<1000000x64xf32, #tpu.memory_space<hbm>>
    %dma_start3A_90 = tpu.memref_slice %arg7[%dma_start3A_79] : memref<8x!tpu.dma_semaphore, #tpu.memory_space<semaphore_mem>> -> memref<1x!tpu.dma_semaphore, #tpu.memory_space<semaphore_mem>>
    %dma_start3A_91 = tpu.memref_squeeze %dma_start3A_90 : memref<1x!tpu.dma_semaphore, #tpu.memory_space<semaphore_mem>> -> memref<!tpu.dma_semaphore, #tpu.memory_space<semaphore_mem>>
    tpu.enqueue_indirect_dma source(%dma_start3A_89 : memref<1000000x64xf32, #tpu.memory_space<hbm>>) target(%dma_start3A_83 : memref<200x64xf32, #tpu.memory_space<vmem>>) offsets(%dma_start3A_86 : memref<200xi32, #tpu.memory_space<vmem>>) semaphore(%dma_start3A_91 : memref<!tpu.dma_semaphore, #tpu.memory_space<semaphore_mem>>)
    %dma_start3A_92 = arith.constant 6 : i32
    %dma_start3A_93 = arith.constant 6 : i32
    %dma_start3A_94 = arith.constant 6 : i32
    %dma_start3A_95 = arith.constant 0 : i32
    %dma_start3A_96 = arith.constant 0 : i32
    %dma_start3A_97 = tpu.memref_slice %arg6[%dma_start3A_93, %dma_start3A_95, %dma_start3A_96] : memref<8x200x64xf32, #tpu.memory_space<vmem>> -> memref<1x200x64xf32, #tpu.memory_space<vmem>>
    %dma_start3A_98 = tpu.memref_squeeze %dma_start3A_97 : memref<1x200x64xf32, #tpu.memory_space<vmem>> -> memref<200x64xf32, #tpu.memory_space<vmem>>
    %dma_start3A_99 = arith.constant 0 : i32
    %dma_start3A_100 = tpu.memref_slice %arg5[%dma_start3A_92, %dma_start3A_99] : memref<128x200xi32, #tpu.memory_space<vmem>> -> memref<1x200xi32, #tpu.memory_space<vmem>>
    %dma_start3A_101 = tpu.memref_squeeze %dma_start3A_100 : memref<1x200xi32, #tpu.memory_space<vmem>> -> memref<200xi32, #tpu.memory_space<vmem>>
    %dma_start3A_102 = arith.constant 0 : i32
    %dma_start3A_103 = arith.constant 0 : i32
    %dma_start3A_104 = tpu.memref_slice %arg3[%dma_start3A_102, %dma_start3A_103] : memref<1000000x64xf32, #tpu.memory_space<hbm>> -> memref<1000000x64xf32, #tpu.memory_space<hbm>>
    %dma_start3A_105 = tpu.memref_slice %arg7[%dma_start3A_94] : memref<8x!tpu.dma_semaphore, #tpu.memory_space<semaphore_mem>> -> memref<1x!tpu.dma_semaphore, #tpu.memory_space<semaphore_mem>>
    %dma_start3A_106 = tpu.memref_squeeze %dma_start3A_105 : memref<1x!tpu.dma_semaphore, #tpu.memory_space<semaphore_mem>> -> memref<!tpu.dma_semaphore, #tpu.memory_space<semaphore_mem>>
    tpu.enqueue_indirect_dma source(%dma_start3A_104 : memref<1000000x64xf32, #tpu.memory_space<hbm>>) target(%dma_start3A_98 : memref<200x64xf32, #tpu.memory_space<vmem>>) offsets(%dma_start3A_101 : memref<200xi32, #tpu.memory_space<vmem>>) semaphore(%dma_start3A_106 : memref<!tpu.dma_semaphore, #tpu.memory_space<semaphore_mem>>)
    %dma_start3A_107 = arith.constant 7 : i32
    %dma_start3A_108 = arith.constant 7 : i32
    %dma_start3A_109 = arith.constant 7 : i32
    %dma_start3A_110 = arith.constant 0 : i32
    %dma_start3A_111 = arith.constant 0 : i32
    %dma_start3A_112 = tpu.memref_slice %arg6[%dma_start3A_108, %dma_start3A_110, %dma_start3A_111] : memref<8x200x64xf32, #tpu.memory_space<vmem>> -> memref<1x200x64xf32, #tpu.memory_space<vmem>>
    %dma_start3A_113 = tpu.memref_squeeze %dma_start3A_112 : memref<1x200x64xf32, #tpu.memory_space<vmem>> -> memref<200x64xf32, #tpu.memory_space<vmem>>
    %dma_start3A_114 = arith.constant 0 : i32
    %dma_start3A_115 = tpu.memref_slice %arg5[%dma_start3A_107, %dma_start3A_114] : memref<128x200xi32, #tpu.memory_space<vmem>> -> memref<1x200xi32, #tpu.memory_space<vmem>>
    %dma_start3A_116 = tpu.memref_squeeze %dma_start3A_115 : memref<1x200xi32, #tpu.memory_space<vmem>> -> memref<200xi32, #tpu.memory_space<vmem>>
    %dma_start3A_117 = arith.constant 0 : i32
    %dma_start3A_118 = arith.constant 0 : i32
    %dma_start3A_119 = tpu.memref_slice %arg3[%dma_start3A_117, %dma_start3A_118] : memref<1000000x64xf32, #tpu.memory_space<hbm>> -> memref<1000000x64xf32, #tpu.memory_space<hbm>>
    %dma_start3A_120 = tpu.memref_slice %arg7[%dma_start3A_109] : memref<8x!tpu.dma_semaphore, #tpu.memory_space<semaphore_mem>> -> memref<1x!tpu.dma_semaphore, #tpu.memory_space<semaphore_mem>>
    %dma_start3A_121 = tpu.memref_squeeze %dma_start3A_120 : memref<1x!tpu.dma_semaphore, #tpu.memory_space<semaphore_mem>> -> memref<!tpu.dma_semaphore, #tpu.memory_space<semaphore_mem>>
    tpu.enqueue_indirect_dma source(%dma_start3A_119 : memref<1000000x64xf32, #tpu.memory_space<hbm>>) target(%dma_start3A_113 : memref<200x64xf32, #tpu.memory_space<vmem>>) offsets(%dma_start3A_116 : memref<200xi32, #tpu.memory_space<vmem>>) semaphore(%dma_start3A_121 : memref<!tpu.dma_semaphore, #tpu.memory_space<semaphore_mem>>)
    %scan3A = arith.constant 0 : i32
    %scan3A_122 = arith.constant 0 : i32
    %scan3A_123 = arith.constant 16 : i32
    %scan3A_124 = arith.addi %scan3A_122, %scan3A_123 : i32
    %scan3A_125 = arith.constant 1 : i32
    scf.for %scan3A_127 = %scan3A_122 to %scan3A_124 step %scan3A_125  : i32 {
      %mul3A_128 = arith.constant 8 : i32
      %mul3A_129 = arith.muli %scan3A_127, %mul3A_128 : i32
      %dma_wait3A = arith.constant 0 : i32
      %dma_wait3A_130 = arith.constant 0 : i32
      %dma_wait3A_131 = arith.constant 0 : i32
      %dma_wait3A_132 = arith.constant 0 : i32
      %dma_wait3A_133 = tpu.memref_slice %arg6[%dma_wait3A, %dma_wait3A_131, %dma_wait3A_132] : memref<8x200x64xf32, #tpu.memory_space<vmem>> -> memref<1x200x64xf32, #tpu.memory_space<vmem>>
      %dma_wait3A_134 = tpu.memref_squeeze %dma_wait3A_133 : memref<1x200x64xf32, #tpu.memory_space<vmem>> -> memref<200x64xf32, #tpu.memory_space<vmem>>
      %dma_wait3A_135 = arith.constant 0 : i32
      %dma_wait3A_136 = arith.constant 0 : i32
      %dma_wait3A_137 = tpu.memref_slice %arg3[%dma_wait3A_135, %dma_wait3A_136] : memref<1000000x64xf32, #tpu.memory_space<hbm>> -> memref<200x64xf32, #tpu.memory_space<hbm>>
      %dma_wait3A_138 = tpu.memref_slice %arg7[%dma_wait3A_130] : memref<8x!tpu.dma_semaphore, #tpu.memory_space<semaphore_mem>> -> memref<1x!tpu.dma_semaphore, #tpu.memory_space<semaphore_mem>>
      %dma_wait3A_139 = tpu.memref_squeeze %dma_wait3A_138 : memref<1x!tpu.dma_semaphore, #tpu.memory_space<semaphore_mem>> -> memref<!tpu.dma_semaphore, #tpu.memory_space<semaphore_mem>>
      %dma_wait3A_140 = arith.constant 0 : i32
      %dma_wait3A_141 = arith.constant 0 : i32
      %dma_wait3A_142 = tpu.memref_slice %arg6[%dma_wait3A, %dma_wait3A_140, %dma_wait3A_141] : memref<8x200x64xf32, #tpu.memory_space<vmem>> -> memref<1x200x64xf32, #tpu.memory_space<vmem>>
      %dma_wait3A_143 = tpu.memref_squeeze %dma_wait3A_142 : memref<1x200x64xf32, #tpu.memory_space<vmem>> -> memref<200x64xf32, #tpu.memory_space<vmem>>
      %dma_wait3A_144 = arith.constant 0 : i32
      %dma_wait3A_145 = arith.constant 0 : i32
      %dma_wait3A_146 = tpu.memref_slice %arg3[%dma_wait3A_144, %dma_wait3A_145] : memref<1000000x64xf32, #tpu.memory_space<hbm>> -> memref<200x64xf32, #tpu.memory_space<hbm>>
      tpu.wait_dma2 semaphore(%dma_wait3A_139 : memref<!tpu.dma_semaphore, #tpu.memory_space<semaphore_mem>>) src(%dma_wait3A_146 : memref<200x64xf32, #tpu.memory_space<hbm>>) dst(%dma_wait3A_143 : memref<200x64xf32, #tpu.memory_space<vmem>>)
      %add3A_147 = arith.constant 0 : i32
      %add3A_148 = arith.addi %mul3A_129, %add3A_147 : i32
      %add3A_149 = arith.addi %mul3A_2, %add3A_148 : i32
      %mul3A_150 = arith.constant 200 : i32
      %mul3A_151 = arith.muli %add3A_149, %mul3A_150 : i32
      %dma_start3A_152 = arith.constant 0 : i32
      %dma_start3A_153 = arith.constant 0 : i32
      %dma_start3A_154 = arith.constant 0 : i32
      %dma_start3A_155 = arith.constant 0 : i32
      %dma_start3A_156 = tpu.memref_slice %arg6[%dma_start3A_152, %dma_start3A_154, %dma_start3A_155] : memref<8x200x64xf32, #tpu.memory_space<vmem>> -> memref<1x200x64xf32, #tpu.memory_space<vmem>>
      %dma_start3A_157 = tpu.memref_squeeze %dma_start3A_156 : memref<1x200x64xf32, #tpu.memory_space<vmem>> -> memref<200x64xf32, #tpu.memory_space<vmem>>
      %dma_start3A_158 = arith.constant 0 : i32
      %dma_start3A_159 = tpu.memref_slice %arg4[%mul3A_151, %dma_start3A_158] : memref<819200x128xf32, #tpu.memory_space<hbm>> -> memref<200x64xf32, #tpu.memory_space<hbm>>
      %dma_start3A_160 = tpu.memref_slice %arg8[%dma_start3A_153] : memref<8x!tpu.dma_semaphore, #tpu.memory_space<semaphore_mem>> -> memref<1x!tpu.dma_semaphore, #tpu.memory_space<semaphore_mem>>
      %dma_start3A_161 = tpu.memref_squeeze %dma_start3A_160 : memref<1x!tpu.dma_semaphore, #tpu.memory_space<semaphore_mem>> -> memref<!tpu.dma_semaphore, #tpu.memory_space<semaphore_mem>>
      %dma_start3A_162 = arith.constant 0 : i32
      %dma_start3A_163 = tpu.memref_slice %arg4[%mul3A_151, %dma_start3A_162] : memref<819200x128xf32, #tpu.memory_space<hbm>> -> memref<200x64xf32, #tpu.memory_space<hbm>>
      %dma_start3A_164 = arith.constant 0 : i32
      %dma_start3A_165 = arith.constant 0 : i32
      %dma_start3A_166 = tpu.memref_slice %arg6[%dma_start3A_152, %dma_start3A_164, %dma_start3A_165] : memref<8x200x64xf32, #tpu.memory_space<vmem>> -> memref<1x200x64xf32, #tpu.memory_space<vmem>>
      %dma_start3A_167 = tpu.memref_squeeze %dma_start3A_166 : memref<1x200x64xf32, #tpu.memory_space<vmem>> -> memref<200x64xf32, #tpu.memory_space<vmem>>
      tpu.enqueue_dma source(%dma_start3A_167 : memref<200x64xf32, #tpu.memory_space<vmem>>) target(%dma_start3A_163 : memref<200x64xf32, #tpu.memory_space<hbm>>) target_semaphore(%dma_start3A_161 : memref<!tpu.dma_semaphore, #tpu.memory_space<semaphore_mem>>)
      %dma_wait3A_168 = arith.constant 1 : i32
      %dma_wait3A_169 = arith.constant 1 : i32
      %dma_wait3A_170 = arith.constant 0 : i32
      %dma_wait3A_171 = arith.constant 0 : i32
      %dma_wait3A_172 = tpu.memref_slice %arg6[%dma_wait3A_168, %dma_wait3A_170, %dma_wait3A_171] : memref<8x200x64xf32, #tpu.memory_space<vmem>> -> memref<1x200x64xf32, #tpu.memory_space<vmem>>
      %dma_wait3A_173 = tpu.memref_squeeze %dma_wait3A_172 : memref<1x200x64xf32, #tpu.memory_space<vmem>> -> memref<200x64xf32, #tpu.memory_space<vmem>>
      %dma_wait3A_174 = arith.constant 0 : i32
      %dma_wait3A_175 = arith.constant 0 : i32
      %dma_wait3A_176 = tpu.memref_slice %arg3[%dma_wait3A_174, %dma_wait3A_175] : memref<1000000x64xf32, #tpu.memory_space<hbm>> -> memref<200x64xf32, #tpu.memory_space<hbm>>
      %dma_wait3A_177 = tpu.memref_slice %arg7[%dma_wait3A_169] : memref<8x!tpu.dma_semaphore, #tpu.memory_space<semaphore_mem>> -> memref<1x!tpu.dma_semaphore, #tpu.memory_space<semaphore_mem>>
      %dma_wait3A_178 = tpu.memref_squeeze %dma_wait3A_177 : memref<1x!tpu.dma_semaphore, #tpu.memory_space<semaphore_mem>> -> memref<!tpu.dma_semaphore, #tpu.memory_space<semaphore_mem>>
      %dma_wait3A_179 = arith.constant 0 : i32
      %dma_wait3A_180 = arith.constant 0 : i32
      %dma_wait3A_181 = tpu.memref_slice %arg6[%dma_wait3A_168, %dma_wait3A_179, %dma_wait3A_180] : memref<8x200x64xf32, #tpu.memory_space<vmem>> -> memref<1x200x64xf32, #tpu.memory_space<vmem>>
      %dma_wait3A_182 = tpu.memref_squeeze %dma_wait3A_181 : memref<1x200x64xf32, #tpu.memory_space<vmem>> -> memref<200x64xf32, #tpu.memory_space<vmem>>
      %dma_wait3A_183 = arith.constant 0 : i32
      %dma_wait3A_184 = arith.constant 0 : i32
      %dma_wait3A_185 = tpu.memref_slice %arg3[%dma_wait3A_183, %dma_wait3A_184] : memref<1000000x64xf32, #tpu.memory_space<hbm>> -> memref<200x64xf32, #tpu.memory_space<hbm>>
      tpu.wait_dma2 semaphore(%dma_wait3A_178 : memref<!tpu.dma_semaphore, #tpu.memory_space<semaphore_mem>>) src(%dma_wait3A_185 : memref<200x64xf32, #tpu.memory_space<hbm>>) dst(%dma_wait3A_182 : memref<200x64xf32, #tpu.memory_space<vmem>>)
      %add3A_186 = arith.constant 1 : i32
      %add3A_187 = arith.addi %mul3A_129, %add3A_186 : i32
      %add3A_188 = arith.addi %mul3A_2, %add3A_187 : i32
      %mul3A_189 = arith.constant 200 : i32
      %mul3A_190 = arith.muli %add3A_188, %mul3A_189 : i32
      %dma_start3A_191 = arith.constant 1 : i32
      %dma_start3A_192 = arith.constant 1 : i32
      %dma_start3A_193 = arith.constant 0 : i32
      %dma_start3A_194 = arith.constant 0 : i32
      %dma_start3A_195 = tpu.memref_slice %arg6[%dma_start3A_191, %dma_start3A_193, %dma_start3A_194] : memref<8x200x64xf32, #tpu.memory_space<vmem>> -> memref<1x200x64xf32, #tpu.memory_space<vmem>>
      %dma_start3A_196 = tpu.memref_squeeze %dma_start3A_195 : memref<1x200x64xf32, #tpu.memory_space<vmem>> -> memref<200x64xf32, #tpu.memory_space<vmem>>
      %dma_start3A_197 = arith.constant 0 : i32
      %dma_start3A_198 = tpu.memref_slice %arg4[%mul3A_190, %dma_start3A_197] : memref<819200x128xf32, #tpu.memory_space<hbm>> -> memref<200x64xf32, #tpu.memory_space<hbm>>
      %dma_start3A_199 = tpu.memref_slice %arg8[%dma_start3A_192] : memref<8x!tpu.dma_semaphore, #tpu.memory_space<semaphore_mem>> -> memref<1x!tpu.dma_semaphore, #tpu.memory_space<semaphore_mem>>
      %dma_start3A_200 = tpu.memref_squeeze %dma_start3A_199 : memref<1x!tpu.dma_semaphore, #tpu.memory_space<semaphore_mem>> -> memref<!tpu.dma_semaphore, #tpu.memory_space<semaphore_mem>>
      %dma_start3A_201 = arith.constant 0 : i32
      %dma_start3A_202 = tpu.memref_slice %arg4[%mul3A_190, %dma_start3A_201] : memref<819200x128xf32, #tpu.memory_space<hbm>> -> memref<200x64xf32, #tpu.memory_space<hbm>>
      %dma_start3A_203 = arith.constant 0 : i32
      %dma_start3A_204 = arith.constant 0 : i32
      %dma_start3A_205 = tpu.memref_slice %arg6[%dma_start3A_191, %dma_start3A_203, %dma_start3A_204] : memref<8x200x64xf32, #tpu.memory_space<vmem>> -> memref<1x200x64xf32, #tpu.memory_space<vmem>>
      %dma_start3A_206 = tpu.memref_squeeze %dma_start3A_205 : memref<1x200x64xf32, #tpu.memory_space<vmem>> -> memref<200x64xf32, #tpu.memory_space<vmem>>
      tpu.enqueue_dma source(%dma_start3A_206 : memref<200x64xf32, #tpu.memory_space<vmem>>) target(%dma_start3A_202 : memref<200x64xf32, #tpu.memory_space<hbm>>) target_semaphore(%dma_start3A_200 : memref<!tpu.dma_semaphore, #tpu.memory_space<semaphore_mem>>)
      %dma_wait3A_207 = arith.constant 2 : i32
      %dma_wait3A_208 = arith.constant 2 : i32
      %dma_wait3A_209 = arith.constant 0 : i32
      %dma_wait3A_210 = arith.constant 0 : i32
      %dma_wait3A_211 = tpu.memref_slice %arg6[%dma_wait3A_207, %dma_wait3A_209, %dma_wait3A_210] : memref<8x200x64xf32, #tpu.memory_space<vmem>> -> memref<1x200x64xf32, #tpu.memory_space<vmem>>
      %dma_wait3A_212 = tpu.memref_squeeze %dma_wait3A_211 : memref<1x200x64xf32, #tpu.memory_space<vmem>> -> memref<200x64xf32, #tpu.memory_space<vmem>>
      %dma_wait3A_213 = arith.constant 0 : i32
      %dma_wait3A_214 = arith.constant 0 : i32
      %dma_wait3A_215 = tpu.memref_slice %arg3[%dma_wait3A_213, %dma_wait3A_214] : memref<1000000x64xf32, #tpu.memory_space<hbm>> -> memref<200x64xf32, #tpu.memory_space<hbm>>
      %dma_wait3A_216 = tpu.memref_slice %arg7[%dma_wait3A_208] : memref<8x!tpu.dma_semaphore, #tpu.memory_space<semaphore_mem>> -> memref<1x!tpu.dma_semaphore, #tpu.memory_space<semaphore_mem>>
      %dma_wait3A_217 = tpu.memref_squeeze %dma_wait3A_216 : memref<1x!tpu.dma_semaphore, #tpu.memory_space<semaphore_mem>> -> memref<!tpu.dma_semaphore, #tpu.memory_space<semaphore_mem>>
      %dma_wait3A_218 = arith.constant 0 : i32
      %dma_wait3A_219 = arith.constant 0 : i32
      %dma_wait3A_220 = tpu.memref_slice %arg6[%dma_wait3A_207, %dma_wait3A_218, %dma_wait3A_219] : memref<8x200x64xf32, #tpu.memory_space<vmem>> -> memref<1x200x64xf32, #tpu.memory_space<vmem>>
      %dma_wait3A_221 = tpu.memref_squeeze %dma_wait3A_220 : memref<1x200x64xf32, #tpu.memory_space<vmem>> -> memref<200x64xf32, #tpu.memory_space<vmem>>
      %dma_wait3A_222 = arith.constant 0 : i32
      %dma_wait3A_223 = arith.constant 0 : i32
      %dma_wait3A_224 = tpu.memref_slice %arg3[%dma_wait3A_222, %dma_wait3A_223] : memref<1000000x64xf32, #tpu.memory_space<hbm>> -> memref<200x64xf32, #tpu.memory_space<hbm>>
      tpu.wait_dma2 semaphore(%dma_wait3A_217 : memref<!tpu.dma_semaphore, #tpu.memory_space<semaphore_mem>>) src(%dma_wait3A_224 : memref<200x64xf32, #tpu.memory_space<hbm>>) dst(%dma_wait3A_221 : memref<200x64xf32, #tpu.memory_space<vmem>>)
      %add3A_225 = arith.constant 2 : i32
      %add3A_226 = arith.addi %mul3A_129, %add3A_225 : i32
      %add3A_227 = arith.addi %mul3A_2, %add3A_226 : i32
      %mul3A_228 = arith.constant 200 : i32
      %mul3A_229 = arith.muli %add3A_227, %mul3A_228 : i32
      %dma_start3A_230 = arith.constant 2 : i32
      %dma_start3A_231 = arith.constant 2 : i32
      %dma_start3A_232 = arith.constant 0 : i32
      %dma_start3A_233 = arith.constant 0 : i32
      %dma_start3A_234 = tpu.memref_slice %arg6[%dma_start3A_230, %dma_start3A_232, %dma_start3A_233] : memref<8x200x64xf32, #tpu.memory_space<vmem>> -> memref<1x200x64xf32, #tpu.memory_space<vmem>>
      %dma_start3A_235 = tpu.memref_squeeze %dma_start3A_234 : memref<1x200x64xf32, #tpu.memory_space<vmem>> -> memref<200x64xf32, #tpu.memory_space<vmem>>
      %dma_start3A_236 = arith.constant 0 : i32
      %dma_start3A_237 = tpu.memref_slice %arg4[%mul3A_229, %dma_start3A_236] : memref<819200x128xf32, #tpu.memory_space<hbm>> -> memref<200x64xf32, #tpu.memory_space<hbm>>
      %dma_start3A_238 = tpu.memref_slice %arg8[%dma_start3A_231] : memref<8x!tpu.dma_semaphore, #tpu.memory_space<semaphore_mem>> -> memref<1x!tpu.dma_semaphore, #tpu.memory_space<semaphore_mem>>
      %dma_start3A_239 = tpu.memref_squeeze %dma_start3A_238 : memref<1x!tpu.dma_semaphore, #tpu.memory_space<semaphore_mem>> -> memref<!tpu.dma_semaphore, #tpu.memory_space<semaphore_mem>>
      %dma_start3A_240 = arith.constant 0 : i32
      %dma_start3A_241 = tpu.memref_slice %arg4[%mul3A_229, %dma_start3A_240] : memref<819200x128xf32, #tpu.memory_space<hbm>> -> memref<200x64xf32, #tpu.memory_space<hbm>>
      %dma_start3A_242 = arith.constant 0 : i32
      %dma_start3A_243 = arith.constant 0 : i32
      %dma_start3A_244 = tpu.memref_slice %arg6[%dma_start3A_230, %dma_start3A_242, %dma_start3A_243] : memref<8x200x64xf32, #tpu.memory_space<vmem>> -> memref<1x200x64xf32, #tpu.memory_space<vmem>>
      %dma_start3A_245 = tpu.memref_squeeze %dma_start3A_244 : memref<1x200x64xf32, #tpu.memory_space<vmem>> -> memref<200x64xf32, #tpu.memory_space<vmem>>
      tpu.enqueue_dma source(%dma_start3A_245 : memref<200x64xf32, #tpu.memory_space<vmem>>) target(%dma_start3A_241 : memref<200x64xf32, #tpu.memory_space<hbm>>) target_semaphore(%dma_start3A_239 : memref<!tpu.dma_semaphore, #tpu.memory_space<semaphore_mem>>)
      %dma_wait3A_246 = arith.constant 3 : i32
      %dma_wait3A_247 = arith.constant 3 : i32
      %dma_wait3A_248 = arith.constant 0 : i32
      %dma_wait3A_249 = arith.constant 0 : i32
      %dma_wait3A_250 = tpu.memref_slice %arg6[%dma_wait3A_246, %dma_wait3A_248, %dma_wait3A_249] : memref<8x200x64xf32, #tpu.memory_space<vmem>> -> memref<1x200x64xf32, #tpu.memory_space<vmem>>
      %dma_wait3A_251 = tpu.memref_squeeze %dma_wait3A_250 : memref<1x200x64xf32, #tpu.memory_space<vmem>> -> memref<200x64xf32, #tpu.memory_space<vmem>>
      %dma_wait3A_252 = arith.constant 0 : i32
      %dma_wait3A_253 = arith.constant 0 : i32
      %dma_wait3A_254 = tpu.memref_slice %arg3[%dma_wait3A_252, %dma_wait3A_253] : memref<1000000x64xf32, #tpu.memory_space<hbm>> -> memref<200x64xf32, #tpu.memory_space<hbm>>
      %dma_wait3A_255 = tpu.memref_slice %arg7[%dma_wait3A_247] : memref<8x!tpu.dma_semaphore, #tpu.memory_space<semaphore_mem>> -> memref<1x!tpu.dma_semaphore, #tpu.memory_space<semaphore_mem>>
      %dma_wait3A_256 = tpu.memref_squeeze %dma_wait3A_255 : memref<1x!tpu.dma_semaphore, #tpu.memory_space<semaphore_mem>> -> memref<!tpu.dma_semaphore, #tpu.memory_space<semaphore_mem>>
      %dma_wait3A_257 = arith.constant 0 : i32
      %dma_wait3A_258 = arith.constant 0 : i32
      %dma_wait3A_259 = tpu.memref_slice %arg6[%dma_wait3A_246, %dma_wait3A_257, %dma_wait3A_258] : memref<8x200x64xf32, #tpu.memory_space<vmem>> -> memref<1x200x64xf32, #tpu.memory_space<vmem>>
      %dma_wait3A_260 = tpu.memref_squeeze %dma_wait3A_259 : memref<1x200x64xf32, #tpu.memory_space<vmem>> -> memref<200x64xf32, #tpu.memory_space<vmem>>
      %dma_wait3A_261 = arith.constant 0 : i32
      %dma_wait3A_262 = arith.constant 0 : i32
      %dma_wait3A_263 = tpu.memref_slice %arg3[%dma_wait3A_261, %dma_wait3A_262] : memref<1000000x64xf32, #tpu.memory_space<hbm>> -> memref<200x64xf32, #tpu.memory_space<hbm>>
      tpu.wait_dma2 semaphore(%dma_wait3A_256 : memref<!tpu.dma_semaphore, #tpu.memory_space<semaphore_mem>>) src(%dma_wait3A_263 : memref<200x64xf32, #tpu.memory_space<hbm>>) dst(%dma_wait3A_260 : memref<200x64xf32, #tpu.memory_space<vmem>>)
      %add3A_264 = arith.constant 3 : i32
      %add3A_265 = arith.addi %mul3A_129, %add3A_264 : i32
      %add3A_266 = arith.addi %mul3A_2, %add3A_265 : i32
      %mul3A_267 = arith.constant 200 : i32
      %mul3A_268 = arith.muli %add3A_266, %mul3A_267 : i32
      %dma_start3A_269 = arith.constant 3 : i32
      %dma_start3A_270 = arith.constant 3 : i32
      %dma_start3A_271 = arith.constant 0 : i32
      %dma_start3A_272 = arith.constant 0 : i32
      %dma_start3A_273 = tpu.memref_slice %arg6[%dma_start3A_269, %dma_start3A_271, %dma_start3A_272] : memref<8x200x64xf32, #tpu.memory_space<vmem>> -> memref<1x200x64xf32, #tpu.memory_space<vmem>>
      %dma_start3A_274 = tpu.memref_squeeze %dma_start3A_273 : memref<1x200x64xf32, #tpu.memory_space<vmem>> -> memref<200x64xf32, #tpu.memory_space<vmem>>
      %dma_start3A_275 = arith.constant 0 : i32
      %dma_start3A_276 = tpu.memref_slice %arg4[%mul3A_268, %dma_start3A_275] : memref<819200x128xf32, #tpu.memory_space<hbm>> -> memref<200x64xf32, #tpu.memory_space<hbm>>
      %dma_start3A_277 = tpu.memref_slice %arg8[%dma_start3A_270] : memref<8x!tpu.dma_semaphore, #tpu.memory_space<semaphore_mem>> -> memref<1x!tpu.dma_semaphore, #tpu.memory_space<semaphore_mem>>
      %dma_start3A_278 = tpu.memref_squeeze %dma_start3A_277 : memref<1x!tpu.dma_semaphore, #tpu.memory_space<semaphore_mem>> -> memref<!tpu.dma_semaphore, #tpu.memory_space<semaphore_mem>>
      %dma_start3A_279 = arith.constant 0 : i32
      %dma_start3A_280 = tpu.memref_slice %arg4[%mul3A_268, %dma_start3A_279] : memref<819200x128xf32, #tpu.memory_space<hbm>> -> memref<200x64xf32, #tpu.memory_space<hbm>>
      %dma_start3A_281 = arith.constant 0 : i32
      %dma_start3A_282 = arith.constant 0 : i32
      %dma_start3A_283 = tpu.memref_slice %arg6[%dma_start3A_269, %dma_start3A_281, %dma_start3A_282] : memref<8x200x64xf32, #tpu.memory_space<vmem>> -> memref<1x200x64xf32, #tpu.memory_space<vmem>>
      %dma_start3A_284 = tpu.memref_squeeze %dma_start3A_283 : memref<1x200x64xf32, #tpu.memory_space<vmem>> -> memref<200x64xf32, #tpu.memory_space<vmem>>
      tpu.enqueue_dma source(%dma_start3A_284 : memref<200x64xf32, #tpu.memory_space<vmem>>) target(%dma_start3A_280 : memref<200x64xf32, #tpu.memory_space<hbm>>) target_semaphore(%dma_start3A_278 : memref<!tpu.dma_semaphore, #tpu.memory_space<semaphore_mem>>)
      %dma_wait3A_285 = arith.constant 4 : i32
      %dma_wait3A_286 = arith.constant 4 : i32
      %dma_wait3A_287 = arith.constant 0 : i32
      %dma_wait3A_288 = arith.constant 0 : i32
      %dma_wait3A_289 = tpu.memref_slice %arg6[%dma_wait3A_285, %dma_wait3A_287, %dma_wait3A_288] : memref<8x200x64xf32, #tpu.memory_space<vmem>> -> memref<1x200x64xf32, #tpu.memory_space<vmem>>
      %dma_wait3A_290 = tpu.memref_squeeze %dma_wait3A_289 : memref<1x200x64xf32, #tpu.memory_space<vmem>> -> memref<200x64xf32, #tpu.memory_space<vmem>>
      %dma_wait3A_291 = arith.constant 0 : i32
      %dma_wait3A_292 = arith.constant 0 : i32
      %dma_wait3A_293 = tpu.memref_slice %arg3[%dma_wait3A_291, %dma_wait3A_292] : memref<1000000x64xf32, #tpu.memory_space<hbm>> -> memref<200x64xf32, #tpu.memory_space<hbm>>
      %dma_wait3A_294 = tpu.memref_slice %arg7[%dma_wait3A_286] : memref<8x!tpu.dma_semaphore, #tpu.memory_space<semaphore_mem>> -> memref<1x!tpu.dma_semaphore, #tpu.memory_space<semaphore_mem>>
      %dma_wait3A_295 = tpu.memref_squeeze %dma_wait3A_294 : memref<1x!tpu.dma_semaphore, #tpu.memory_space<semaphore_mem>> -> memref<!tpu.dma_semaphore, #tpu.memory_space<semaphore_mem>>
      %dma_wait3A_296 = arith.constant 0 : i32
      %dma_wait3A_297 = arith.constant 0 : i32
      %dma_wait3A_298 = tpu.memref_slice %arg6[%dma_wait3A_285, %dma_wait3A_296, %dma_wait3A_297] : memref<8x200x64xf32, #tpu.memory_space<vmem>> -> memref<1x200x64xf32, #tpu.memory_space<vmem>>
      %dma_wait3A_299 = tpu.memref_squeeze %dma_wait3A_298 : memref<1x200x64xf32, #tpu.memory_space<vmem>> -> memref<200x64xf32, #tpu.memory_space<vmem>>
      %dma_wait3A_300 = arith.constant 0 : i32
      %dma_wait3A_301 = arith.constant 0 : i32
      %dma_wait3A_302 = tpu.memref_slice %arg3[%dma_wait3A_300, %dma_wait3A_301] : memref<1000000x64xf32, #tpu.memory_space<hbm>> -> memref<200x64xf32, #tpu.memory_space<hbm>>
      tpu.wait_dma2 semaphore(%dma_wait3A_295 : memref<!tpu.dma_semaphore, #tpu.memory_space<semaphore_mem>>) src(%dma_wait3A_302 : memref<200x64xf32, #tpu.memory_space<hbm>>) dst(%dma_wait3A_299 : memref<200x64xf32, #tpu.memory_space<vmem>>)
      %add3A_303 = arith.constant 4 : i32
      %add3A_304 = arith.addi %mul3A_129, %add3A_303 : i32
      %add3A_305 = arith.addi %mul3A_2, %add3A_304 : i32
      %mul3A_306 = arith.constant 200 : i32
      %mul3A_307 = arith.muli %add3A_305, %mul3A_306 : i32
      %dma_start3A_308 = arith.constant 4 : i32
      %dma_start3A_309 = arith.constant 4 : i32
      %dma_start3A_310 = arith.constant 0 : i32
      %dma_start3A_311 = arith.constant 0 : i32
      %dma_start3A_312 = tpu.memref_slice %arg6[%dma_start3A_308, %dma_start3A_310, %dma_start3A_311] : memref<8x200x64xf32, #tpu.memory_space<vmem>> -> memref<1x200x64xf32, #tpu.memory_space<vmem>>
      %dma_start3A_313 = tpu.memref_squeeze %dma_start3A_312 : memref<1x200x64xf32, #tpu.memory_space<vmem>> -> memref<200x64xf32, #tpu.memory_space<vmem>>
      %dma_start3A_314 = arith.constant 0 : i32
      %dma_start3A_315 = tpu.memref_slice %arg4[%mul3A_307, %dma_start3A_314] : memref<819200x128xf32, #tpu.memory_space<hbm>> -> memref<200x64xf32, #tpu.memory_space<hbm>>
      %dma_start3A_316 = tpu.memref_slice %arg8[%dma_start3A_309] : memref<8x!tpu.dma_semaphore, #tpu.memory_space<semaphore_mem>> -> memref<1x!tpu.dma_semaphore, #tpu.memory_space<semaphore_mem>>
      %dma_start3A_317 = tpu.memref_squeeze %dma_start3A_316 : memref<1x!tpu.dma_semaphore, #tpu.memory_space<semaphore_mem>> -> memref<!tpu.dma_semaphore, #tpu.memory_space<semaphore_mem>>
      %dma_start3A_318 = arith.constant 0 : i32
      %dma_start3A_319 = tpu.memref_slice %arg4[%mul3A_307, %dma_start3A_318] : memref<819200x128xf32, #tpu.memory_space<hbm>> -> memref<200x64xf32, #tpu.memory_space<hbm>>
      %dma_start3A_320 = arith.constant 0 : i32
      %dma_start3A_321 = arith.constant 0 : i32
      %dma_start3A_322 = tpu.memref_slice %arg6[%dma_start3A_308, %dma_start3A_320, %dma_start3A_321] : memref<8x200x64xf32, #tpu.memory_space<vmem>> -> memref<1x200x64xf32, #tpu.memory_space<vmem>>
      %dma_start3A_323 = tpu.memref_squeeze %dma_start3A_322 : memref<1x200x64xf32, #tpu.memory_space<vmem>> -> memref<200x64xf32, #tpu.memory_space<vmem>>
      tpu.enqueue_dma source(%dma_start3A_323 : memref<200x64xf32, #tpu.memory_space<vmem>>) target(%dma_start3A_319 : memref<200x64xf32, #tpu.memory_space<hbm>>) target_semaphore(%dma_start3A_317 : memref<!tpu.dma_semaphore, #tpu.memory_space<semaphore_mem>>)
      %dma_wait3A_324 = arith.constant 5 : i32
      %dma_wait3A_325 = arith.constant 5 : i32
      %dma_wait3A_326 = arith.constant 0 : i32
      %dma_wait3A_327 = arith.constant 0 : i32
      %dma_wait3A_328 = tpu.memref_slice %arg6[%dma_wait3A_324, %dma_wait3A_326, %dma_wait3A_327] : memref<8x200x64xf32, #tpu.memory_space<vmem>> -> memref<1x200x64xf32, #tpu.memory_space<vmem>>
      %dma_wait3A_329 = tpu.memref_squeeze %dma_wait3A_328 : memref<1x200x64xf32, #tpu.memory_space<vmem>> -> memref<200x64xf32, #tpu.memory_space<vmem>>
      %dma_wait3A_330 = arith.constant 0 : i32
      %dma_wait3A_331 = arith.constant 0 : i32
      %dma_wait3A_332 = tpu.memref_slice %arg3[%dma_wait3A_330, %dma_wait3A_331] : memref<1000000x64xf32, #tpu.memory_space<hbm>> -> memref<200x64xf32, #tpu.memory_space<hbm>>
      %dma_wait3A_333 = tpu.memref_slice %arg7[%dma_wait3A_325] : memref<8x!tpu.dma_semaphore, #tpu.memory_space<semaphore_mem>> -> memref<1x!tpu.dma_semaphore, #tpu.memory_space<semaphore_mem>>
      %dma_wait3A_334 = tpu.memref_squeeze %dma_wait3A_333 : memref<1x!tpu.dma_semaphore, #tpu.memory_space<semaphore_mem>> -> memref<!tpu.dma_semaphore, #tpu.memory_space<semaphore_mem>>
      %dma_wait3A_335 = arith.constant 0 : i32
      %dma_wait3A_336 = arith.constant 0 : i32
      %dma_wait3A_337 = tpu.memref_slice %arg6[%dma_wait3A_324, %dma_wait3A_335, %dma_wait3A_336] : memref<8x200x64xf32, #tpu.memory_space<vmem>> -> memref<1x200x64xf32, #tpu.memory_space<vmem>>
      %dma_wait3A_338 = tpu.memref_squeeze %dma_wait3A_337 : memref<1x200x64xf32, #tpu.memory_space<vmem>> -> memref<200x64xf32, #tpu.memory_space<vmem>>
      %dma_wait3A_339 = arith.constant 0 : i32
      %dma_wait3A_340 = arith.constant 0 : i32
      %dma_wait3A_341 = tpu.memref_slice %arg3[%dma_wait3A_339, %dma_wait3A_340] : memref<1000000x64xf32, #tpu.memory_space<hbm>> -> memref<200x64xf32, #tpu.memory_space<hbm>>
      tpu.wait_dma2 semaphore(%dma_wait3A_334 : memref<!tpu.dma_semaphore, #tpu.memory_space<semaphore_mem>>) src(%dma_wait3A_341 : memref<200x64xf32, #tpu.memory_space<hbm>>) dst(%dma_wait3A_338 : memref<200x64xf32, #tpu.memory_space<vmem>>)
      %add3A_342 = arith.constant 5 : i32
      %add3A_343 = arith.addi %mul3A_129, %add3A_342 : i32
      %add3A_344 = arith.addi %mul3A_2, %add3A_343 : i32
      %mul3A_345 = arith.constant 200 : i32
      %mul3A_346 = arith.muli %add3A_344, %mul3A_345 : i32
      %dma_start3A_347 = arith.constant 5 : i32
      %dma_start3A_348 = arith.constant 5 : i32
      %dma_start3A_349 = arith.constant 0 : i32
      %dma_start3A_350 = arith.constant 0 : i32
      %dma_start3A_351 = tpu.memref_slice %arg6[%dma_start3A_347, %dma_start3A_349, %dma_start3A_350] : memref<8x200x64xf32, #tpu.memory_space<vmem>> -> memref<1x200x64xf32, #tpu.memory_space<vmem>>
      %dma_start3A_352 = tpu.memref_squeeze %dma_start3A_351 : memref<1x200x64xf32, #tpu.memory_space<vmem>> -> memref<200x64xf32, #tpu.memory_space<vmem>>
      %dma_start3A_353 = arith.constant 0 : i32
      %dma_start3A_354 = tpu.memref_slice %arg4[%mul3A_346, %dma_start3A_353] : memref<819200x128xf32, #tpu.memory_space<hbm>> -> memref<200x64xf32, #tpu.memory_space<hbm>>
      %dma_start3A_355 = tpu.memref_slice %arg8[%dma_start3A_348] : memref<8x!tpu.dma_semaphore, #tpu.memory_space<semaphore_mem>> -> memref<1x!tpu.dma_semaphore, #tpu.memory_space<semaphore_mem>>
      %dma_start3A_356 = tpu.memref_squeeze %dma_start3A_355 : memref<1x!tpu.dma_semaphore, #tpu.memory_space<semaphore_mem>> -> memref<!tpu.dma_semaphore, #tpu.memory_space<semaphore_mem>>
      %dma_start3A_357 = arith.constant 0 : i32
      %dma_start3A_358 = tpu.memref_slice %arg4[%mul3A_346, %dma_start3A_357] : memref<819200x128xf32, #tpu.memory_space<hbm>> -> memref<200x64xf32, #tpu.memory_space<hbm>>
      %dma_start3A_359 = arith.constant 0 : i32
      %dma_start3A_360 = arith.constant 0 : i32
      %dma_start3A_361 = tpu.memref_slice %arg6[%dma_start3A_347, %dma_start3A_359, %dma_start3A_360] : memref<8x200x64xf32, #tpu.memory_space<vmem>> -> memref<1x200x64xf32, #tpu.memory_space<vmem>>
      %dma_start3A_362 = tpu.memref_squeeze %dma_start3A_361 : memref<1x200x64xf32, #tpu.memory_space<vmem>> -> memref<200x64xf32, #tpu.memory_space<vmem>>
      tpu.enqueue_dma source(%dma_start3A_362 : memref<200x64xf32, #tpu.memory_space<vmem>>) target(%dma_start3A_358 : memref<200x64xf32, #tpu.memory_space<hbm>>) target_semaphore(%dma_start3A_356 : memref<!tpu.dma_semaphore, #tpu.memory_space<semaphore_mem>>)
      %dma_wait3A_363 = arith.constant 6 : i32
      %dma_wait3A_364 = arith.constant 6 : i32
      %dma_wait3A_365 = arith.constant 0 : i32
      %dma_wait3A_366 = arith.constant 0 : i32
      %dma_wait3A_367 = tpu.memref_slice %arg6[%dma_wait3A_363, %dma_wait3A_365, %dma_wait3A_366] : memref<8x200x64xf32, #tpu.memory_space<vmem>> -> memref<1x200x64xf32, #tpu.memory_space<vmem>>
      %dma_wait3A_368 = tpu.memref_squeeze %dma_wait3A_367 : memref<1x200x64xf32, #tpu.memory_space<vmem>> -> memref<200x64xf32, #tpu.memory_space<vmem>>
      %dma_wait3A_369 = arith.constant 0 : i32
      %dma_wait3A_370 = arith.constant 0 : i32
      %dma_wait3A_371 = tpu.memref_slice %arg3[%dma_wait3A_369, %dma_wait3A_370] : memref<1000000x64xf32, #tpu.memory_space<hbm>> -> memref<200x64xf32, #tpu.memory_space<hbm>>
      %dma_wait3A_372 = tpu.memref_slice %arg7[%dma_wait3A_364] : memref<8x!tpu.dma_semaphore, #tpu.memory_space<semaphore_mem>> -> memref<1x!tpu.dma_semaphore, #tpu.memory_space<semaphore_mem>>
      %dma_wait3A_373 = tpu.memref_squeeze %dma_wait3A_372 : memref<1x!tpu.dma_semaphore, #tpu.memory_space<semaphore_mem>> -> memref<!tpu.dma_semaphore, #tpu.memory_space<semaphore_mem>>
      %dma_wait3A_374 = arith.constant 0 : i32
      %dma_wait3A_375 = arith.constant 0 : i32
      %dma_wait3A_376 = tpu.memref_slice %arg6[%dma_wait3A_363, %dma_wait3A_374, %dma_wait3A_375] : memref<8x200x64xf32, #tpu.memory_space<vmem>> -> memref<1x200x64xf32, #tpu.memory_space<vmem>>
      %dma_wait3A_377 = tpu.memref_squeeze %dma_wait3A_376 : memref<1x200x64xf32, #tpu.memory_space<vmem>> -> memref<200x64xf32, #tpu.memory_space<vmem>>
      %dma_wait3A_378 = arith.constant 0 : i32
      %dma_wait3A_379 = arith.constant 0 : i32
      %dma_wait3A_380 = tpu.memref_slice %arg3[%dma_wait3A_378, %dma_wait3A_379] : memref<1000000x64xf32, #tpu.memory_space<hbm>> -> memref<200x64xf32, #tpu.memory_space<hbm>>
      tpu.wait_dma2 semaphore(%dma_wait3A_373 : memref<!tpu.dma_semaphore, #tpu.memory_space<semaphore_mem>>) src(%dma_wait3A_380 : memref<200x64xf32, #tpu.memory_space<hbm>>) dst(%dma_wait3A_377 : memref<200x64xf32, #tpu.memory_space<vmem>>)
      %add3A_381 = arith.constant 6 : i32
      %add3A_382 = arith.addi %mul3A_129, %add3A_381 : i32
      %add3A_383 = arith.addi %mul3A_2, %add3A_382 : i32
      %mul3A_384 = arith.constant 200 : i32
      %mul3A_385 = arith.muli %add3A_383, %mul3A_384 : i32
      %dma_start3A_386 = arith.constant 6 : i32
      %dma_start3A_387 = arith.constant 6 : i32
      %dma_start3A_388 = arith.constant 0 : i32
      %dma_start3A_389 = arith.constant 0 : i32
      %dma_start3A_390 = tpu.memref_slice %arg6[%dma_start3A_386, %dma_start3A_388, %dma_start3A_389] : memref<8x200x64xf32, #tpu.memory_space<vmem>> -> memref<1x200x64xf32, #tpu.memory_space<vmem>>
      %dma_start3A_391 = tpu.memref_squeeze %dma_start3A_390 : memref<1x200x64xf32, #tpu.memory_space<vmem>> -> memref<200x64xf32, #tpu.memory_space<vmem>>
      %dma_start3A_392 = arith.constant 0 : i32
      %dma_start3A_393 = tpu.memref_slice %arg4[%mul3A_385, %dma_start3A_392] : memref<819200x128xf32, #tpu.memory_space<hbm>> -> memref<200x64xf32, #tpu.memory_space<hbm>>
      %dma_start3A_394 = tpu.memref_slice %arg8[%dma_start3A_387] : memref<8x!tpu.dma_semaphore, #tpu.memory_space<semaphore_mem>> -> memref<1x!tpu.dma_semaphore, #tpu.memory_space<semaphore_mem>>
      %dma_start3A_395 = tpu.memref_squeeze %dma_start3A_394 : memref<1x!tpu.dma_semaphore, #tpu.memory_space<semaphore_mem>> -> memref<!tpu.dma_semaphore, #tpu.memory_space<semaphore_mem>>
      %dma_start3A_396 = arith.constant 0 : i32
      %dma_start3A_397 = tpu.memref_slice %arg4[%mul3A_385, %dma_start3A_396] : memref<819200x128xf32, #tpu.memory_space<hbm>> -> memref<200x64xf32, #tpu.memory_space<hbm>>
      %dma_start3A_398 = arith.constant 0 : i32
      %dma_start3A_399 = arith.constant 0 : i32
      %dma_start3A_400 = tpu.memref_slice %arg6[%dma_start3A_386, %dma_start3A_398, %dma_start3A_399] : memref<8x200x64xf32, #tpu.memory_space<vmem>> -> memref<1x200x64xf32, #tpu.memory_space<vmem>>
      %dma_start3A_401 = tpu.memref_squeeze %dma_start3A_400 : memref<1x200x64xf32, #tpu.memory_space<vmem>> -> memref<200x64xf32, #tpu.memory_space<vmem>>
      tpu.enqueue_dma source(%dma_start3A_401 : memref<200x64xf32, #tpu.memory_space<vmem>>) target(%dma_start3A_397 : memref<200x64xf32, #tpu.memory_space<hbm>>) target_semaphore(%dma_start3A_395 : memref<!tpu.dma_semaphore, #tpu.memory_space<semaphore_mem>>)
      %dma_wait3A_402 = arith.constant 7 : i32
      %dma_wait3A_403 = arith.constant 7 : i32
      %dma_wait3A_404 = arith.constant 0 : i32
      %dma_wait3A_405 = arith.constant 0 : i32
      %dma_wait3A_406 = tpu.memref_slice %arg6[%dma_wait3A_402, %dma_wait3A_404, %dma_wait3A_405] : memref<8x200x64xf32, #tpu.memory_space<vmem>> -> memref<1x200x64xf32, #tpu.memory_space<vmem>>
      %dma_wait3A_407 = tpu.memref_squeeze %dma_wait3A_406 : memref<1x200x64xf32, #tpu.memory_space<vmem>> -> memref<200x64xf32, #tpu.memory_space<vmem>>
      %dma_wait3A_408 = arith.constant 0 : i32
      %dma_wait3A_409 = arith.constant 0 : i32
      %dma_wait3A_410 = tpu.memref_slice %arg3[%dma_wait3A_408, %dma_wait3A_409] : memref<1000000x64xf32, #tpu.memory_space<hbm>> -> memref<200x64xf32, #tpu.memory_space<hbm>>
      %dma_wait3A_411 = tpu.memref_slice %arg7[%dma_wait3A_403] : memref<8x!tpu.dma_semaphore, #tpu.memory_space<semaphore_mem>> -> memref<1x!tpu.dma_semaphore, #tpu.memory_space<semaphore_mem>>
      %dma_wait3A_412 = tpu.memref_squeeze %dma_wait3A_411 : memref<1x!tpu.dma_semaphore, #tpu.memory_space<semaphore_mem>> -> memref<!tpu.dma_semaphore, #tpu.memory_space<semaphore_mem>>
      %dma_wait3A_413 = arith.constant 0 : i32
      %dma_wait3A_414 = arith.constant 0 : i32
      %dma_wait3A_415 = tpu.memref_slice %arg6[%dma_wait3A_402, %dma_wait3A_413, %dma_wait3A_414] : memref<8x200x64xf32, #tpu.memory_space<vmem>> -> memref<1x200x64xf32, #tpu.memory_space<vmem>>
      %dma_wait3A_416 = tpu.memref_squeeze %dma_wait3A_415 : memref<1x200x64xf32, #tpu.memory_space<vmem>> -> memref<200x64xf32, #tpu.memory_space<vmem>>
      %dma_wait3A_417 = arith.constant 0 : i32
      %dma_wait3A_418 = arith.constant 0 : i32
      %dma_wait3A_419 = tpu.memref_slice %arg3[%dma_wait3A_417, %dma_wait3A_418] : memref<1000000x64xf32, #tpu.memory_space<hbm>> -> memref<200x64xf32, #tpu.memory_space<hbm>>
      tpu.wait_dma2 semaphore(%dma_wait3A_412 : memref<!tpu.dma_semaphore, #tpu.memory_space<semaphore_mem>>) src(%dma_wait3A_419 : memref<200x64xf32, #tpu.memory_space<hbm>>) dst(%dma_wait3A_416 : memref<200x64xf32, #tpu.memory_space<vmem>>)
      %add3A_420 = arith.constant 7 : i32
      %add3A_421 = arith.addi %mul3A_129, %add3A_420 : i32
      %add3A_422 = arith.addi %mul3A_2, %add3A_421 : i32
      %mul3A_423 = arith.constant 200 : i32
      %mul3A_424 = arith.muli %add3A_422, %mul3A_423 : i32
      %dma_start3A_425 = arith.constant 7 : i32
      %dma_start3A_426 = arith.constant 7 : i32
      %dma_start3A_427 = arith.constant 0 : i32
      %dma_start3A_428 = arith.constant 0 : i32
      %dma_start3A_429 = tpu.memref_slice %arg6[%dma_start3A_425, %dma_start3A_427, %dma_start3A_428] : memref<8x200x64xf32, #tpu.memory_space<vmem>> -> memref<1x200x64xf32, #tpu.memory_space<vmem>>
      %dma_start3A_430 = tpu.memref_squeeze %dma_start3A_429 : memref<1x200x64xf32, #tpu.memory_space<vmem>> -> memref<200x64xf32, #tpu.memory_space<vmem>>
      %dma_start3A_431 = arith.constant 0 : i32
      %dma_start3A_432 = tpu.memref_slice %arg4[%mul3A_424, %dma_start3A_431] : memref<819200x128xf32, #tpu.memory_space<hbm>> -> memref<200x64xf32, #tpu.memory_space<hbm>>
      %dma_start3A_433 = tpu.memref_slice %arg8[%dma_start3A_426] : memref<8x!tpu.dma_semaphore, #tpu.memory_space<semaphore_mem>> -> memref<1x!tpu.dma_semaphore, #tpu.memory_space<semaphore_mem>>
      %dma_start3A_434 = tpu.memref_squeeze %dma_start3A_433 : memref<1x!tpu.dma_semaphore, #tpu.memory_space<semaphore_mem>> -> memref<!tpu.dma_semaphore, #tpu.memory_space<semaphore_mem>>
      %dma_start3A_435 = arith.constant 0 : i32
      %dma_start3A_436 = tpu.memref_slice %arg4[%mul3A_424, %dma_start3A_435] : memref<819200x128xf32, #tpu.memory_space<hbm>> -> memref<200x64xf32, #tpu.memory_space<hbm>>
      %dma_start3A_437 = arith.constant 0 : i32
      %dma_start3A_438 = arith.constant 0 : i32
      %dma_start3A_439 = tpu.memref_slice %arg6[%dma_start3A_425, %dma_start3A_437, %dma_start3A_438] : memref<8x200x64xf32, #tpu.memory_space<vmem>> -> memref<1x200x64xf32, #tpu.memory_space<vmem>>
      %dma_start3A_440 = tpu.memref_squeeze %dma_start3A_439 : memref<1x200x64xf32, #tpu.memory_space<vmem>> -> memref<200x64xf32, #tpu.memory_space<vmem>>
      tpu.enqueue_dma source(%dma_start3A_440 : memref<200x64xf32, #tpu.memory_space<vmem>>) target(%dma_start3A_436 : memref<200x64xf32, #tpu.memory_space<hbm>>) target_semaphore(%dma_start3A_434 : memref<!tpu.dma_semaphore, #tpu.memory_space<semaphore_mem>>)
      %dma_wait3A_441 = arith.constant 0 : i32
      %dma_wait3A_442 = arith.constant 0 : i32
      %dma_wait3A_443 = arith.constant 0 : i32
      %dma_wait3A_444 = arith.constant 0 : i32
      %dma_wait3A_445 = tpu.memref_slice %arg6[%dma_wait3A_441, %dma_wait3A_443, %dma_wait3A_444] : memref<8x200x64xf32, #tpu.memory_space<vmem>> -> memref<1x200x64xf32, #tpu.memory_space<vmem>>
      %dma_wait3A_446 = tpu.memref_squeeze %dma_wait3A_445 : memref<1x200x64xf32, #tpu.memory_space<vmem>> -> memref<200x64xf32, #tpu.memory_space<vmem>>
      %dma_wait3A_447 = arith.constant 0 : i32
      %dma_wait3A_448 = arith.constant 0 : i32
      %dma_wait3A_449 = tpu.memref_slice %arg4[%dma_wait3A_447, %dma_wait3A_448] : memref<819200x128xf32, #tpu.memory_space<hbm>> -> memref<200x64xf32, #tpu.memory_space<hbm>>
      %dma_wait3A_450 = tpu.memref_slice %arg8[%dma_wait3A_442] : memref<8x!tpu.dma_semaphore, #tpu.memory_space<semaphore_mem>> -> memref<1x!tpu.dma_semaphore, #tpu.memory_space<semaphore_mem>>
      %dma_wait3A_451 = tpu.memref_squeeze %dma_wait3A_450 : memref<1x!tpu.dma_semaphore, #tpu.memory_space<semaphore_mem>> -> memref<!tpu.dma_semaphore, #tpu.memory_space<semaphore_mem>>
      %dma_wait3A_452 = arith.constant 0 : i32
      %dma_wait3A_453 = arith.constant 0 : i32
      %dma_wait3A_454 = tpu.memref_slice %arg4[%dma_wait3A_452, %dma_wait3A_453] : memref<819200x128xf32, #tpu.memory_space<hbm>> -> memref<200x64xf32, #tpu.memory_space<hbm>>
      %dma_wait3A_455 = arith.constant 0 : i32
      %dma_wait3A_456 = arith.constant 0 : i32
      %dma_wait3A_457 = tpu.memref_slice %arg6[%dma_wait3A_441, %dma_wait3A_455, %dma_wait3A_456] : memref<8x200x64xf32, #tpu.memory_space<vmem>> -> memref<1x200x64xf32, #tpu.memory_space<vmem>>
      %dma_wait3A_458 = tpu.memref_squeeze %dma_wait3A_457 : memref<1x200x64xf32, #tpu.memory_space<vmem>> -> memref<200x64xf32, #tpu.memory_space<vmem>>
      tpu.wait_dma2 semaphore(%dma_wait3A_451 : memref<!tpu.dma_semaphore, #tpu.memory_space<semaphore_mem>>) src(%dma_wait3A_458 : memref<200x64xf32, #tpu.memory_space<vmem>>) dst(%dma_wait3A_454 : memref<200x64xf32, #tpu.memory_space<hbm>>)
      %add3A_459 = arith.constant 8 : i32
      %add3A_460 = arith.addi %mul3A_129, %add3A_459 : i32
      %add3A_461 = arith.constant 0 : i32
      %add3A_462 = arith.addi %add3A_460, %add3A_461 : i32
      %lt3A = arith.constant 128 : i32
      %lt3A_463 = arith.cmpi slt, %add3A_462, %lt3A : i32
      %convert_element_type3A = arith.extui %lt3A_463 : i1 to i32
      %cond3A = arith.constant 0 : i32
      %cond3A_464 = arith.cmpi ne, %convert_element_type3A, %cond3A : i32
      scf.if %cond3A_464 {
        %add3A_654 = arith.constant 8 : i32
        %add3A_655 = arith.addi %mul3A_129, %add3A_654 : i32
        %add3A_656 = arith.constant 0 : i32
        %add3A_657 = arith.addi %add3A_655, %add3A_656 : i32
        %dma_start3A_658 = arith.constant 0 : i32
        %dma_start3A_659 = arith.constant 0 : i32
        %dma_start3A_660 = arith.constant 0 : i32
        %dma_start3A_661 = arith.constant 0 : i32
        %dma_start3A_662 = tpu.memref_slice %arg6[%dma_start3A_658, %dma_start3A_660, %dma_start3A_661] : memref<8x200x64xf32, #tpu.memory_space<vmem>> -> memref<1x200x64xf32, #tpu.memory_space<vmem>>
        %dma_start3A_663 = tpu.memref_squeeze %dma_start3A_662 : memref<1x200x64xf32, #tpu.memory_space<vmem>> -> memref<200x64xf32, #tpu.memory_space<vmem>>
        %dma_start3A_664 = arith.constant 0 : i32
        %dma_start3A_665 = tpu.memref_slice %arg5[%add3A_657, %dma_start3A_664] : memref<128x200xi32, #tpu.memory_space<vmem>> -> memref<1x200xi32, #tpu.memory_space<vmem>>
        %dma_start3A_666 = tpu.memref_squeeze %dma_start3A_665 : memref<1x200xi32, #tpu.memory_space<vmem>> -> memref<200xi32, #tpu.memory_space<vmem>>
        %dma_start3A_667 = arith.constant 0 : i32
        %dma_start3A_668 = arith.constant 0 : i32
        %dma_start3A_669 = tpu.memref_slice %arg3[%dma_start3A_667, %dma_start3A_668] : memref<1000000x64xf32, #tpu.memory_space<hbm>> -> memref<1000000x64xf32, #tpu.memory_space<hbm>>
        %dma_start3A_670 = tpu.memref_slice %arg7[%dma_start3A_659] : memref<8x!tpu.dma_semaphore, #tpu.memory_space<semaphore_mem>> -> memref<1x!tpu.dma_semaphore, #tpu.memory_space<semaphore_mem>>
        %dma_start3A_671 = tpu.memref_squeeze %dma_start3A_670 : memref<1x!tpu.dma_semaphore, #tpu.memory_space<semaphore_mem>> -> memref<!tpu.dma_semaphore, #tpu.memory_space<semaphore_mem>>
        tpu.enqueue_indirect_dma source(%dma_start3A_669 : memref<1000000x64xf32, #tpu.memory_space<hbm>>) target(%dma_start3A_663 : memref<200x64xf32, #tpu.memory_space<vmem>>) offsets(%dma_start3A_666 : memref<200xi32, #tpu.memory_space<vmem>>) semaphore(%dma_start3A_671 : memref<!tpu.dma_semaphore, #tpu.memory_space<semaphore_mem>>)
      } else {
      }
      %dma_wait3A_465 = arith.constant 1 : i32
      %dma_wait3A_466 = arith.constant 1 : i32
      %dma_wait3A_467 = arith.constant 0 : i32
      %dma_wait3A_468 = arith.constant 0 : i32
      %dma_wait3A_469 = tpu.memref_slice %arg6[%dma_wait3A_465, %dma_wait3A_467, %dma_wait3A_468] : memref<8x200x64xf32, #tpu.memory_space<vmem>> -> memref<1x200x64xf32, #tpu.memory_space<vmem>>
      %dma_wait3A_470 = tpu.memref_squeeze %dma_wait3A_469 : memref<1x200x64xf32, #tpu.memory_space<vmem>> -> memref<200x64xf32, #tpu.memory_space<vmem>>
      %dma_wait3A_471 = arith.constant 0 : i32
      %dma_wait3A_472 = arith.constant 0 : i32
      %dma_wait3A_473 = tpu.memref_slice %arg4[%dma_wait3A_471, %dma_wait3A_472] : memref<819200x128xf32, #tpu.memory_space<hbm>> -> memref<200x64xf32, #tpu.memory_space<hbm>>
      %dma_wait3A_474 = tpu.memref_slice %arg8[%dma_wait3A_466] : memref<8x!tpu.dma_semaphore, #tpu.memory_space<semaphore_mem>> -> memref<1x!tpu.dma_semaphore, #tpu.memory_space<semaphore_mem>>
      %dma_wait3A_475 = tpu.memref_squeeze %dma_wait3A_474 : memref<1x!tpu.dma_semaphore, #tpu.memory_space<semaphore_mem>> -> memref<!tpu.dma_semaphore, #tpu.memory_space<semaphore_mem>>
      %dma_wait3A_476 = arith.constant 0 : i32
      %dma_wait3A_477 = arith.constant 0 : i32
      %dma_wait3A_478 = tpu.memref_slice %arg4[%dma_wait3A_476, %dma_wait3A_477] : memref<819200x128xf32, #tpu.memory_space<hbm>> -> memref<200x64xf32, #tpu.memory_space<hbm>>
      %dma_wait3A_479 = arith.constant 0 : i32
      %dma_wait3A_480 = arith.constant 0 : i32
      %dma_wait3A_481 = tpu.memref_slice %arg6[%dma_wait3A_465, %dma_wait3A_479, %dma_wait3A_480] : memref<8x200x64xf32, #tpu.memory_space<vmem>> -> memref<1x200x64xf32, #tpu.memory_space<vmem>>
      %dma_wait3A_482 = tpu.memref_squeeze %dma_wait3A_481 : memref<1x200x64xf32, #tpu.memory_space<vmem>> -> memref<200x64xf32, #tpu.memory_space<vmem>>
      tpu.wait_dma2 semaphore(%dma_wait3A_475 : memref<!tpu.dma_semaphore, #tpu.memory_space<semaphore_mem>>) src(%dma_wait3A_482 : memref<200x64xf32, #tpu.memory_space<vmem>>) dst(%dma_wait3A_478 : memref<200x64xf32, #tpu.memory_space<hbm>>)
      %add3A_483 = arith.constant 8 : i32
      %add3A_484 = arith.addi %mul3A_129, %add3A_483 : i32
      %add3A_485 = arith.constant 1 : i32
      %add3A_486 = arith.addi %add3A_484, %add3A_485 : i32
      %lt3A_487 = arith.constant 128 : i32
      %lt3A_488 = arith.cmpi slt, %add3A_486, %lt3A_487 : i32
      %convert_element_type3A_489 = arith.extui %lt3A_488 : i1 to i32
      %cond3A_490 = arith.constant 0 : i32
      %cond3A_491 = arith.cmpi ne, %convert_element_type3A_489, %cond3A_490 : i32
      scf.if %cond3A_491 {
        %add3A_654 = arith.constant 8 : i32
        %add3A_655 = arith.addi %mul3A_129, %add3A_654 : i32
        %add3A_656 = arith.constant 1 : i32
        %add3A_657 = arith.addi %add3A_655, %add3A_656 : i32
        %dma_start3A_658 = arith.constant 1 : i32
        %dma_start3A_659 = arith.constant 1 : i32
        %dma_start3A_660 = arith.constant 0 : i32
        %dma_start3A_661 = arith.constant 0 : i32
        %dma_start3A_662 = tpu.memref_slice %arg6[%dma_start3A_658, %dma_start3A_660, %dma_start3A_661] : memref<8x200x64xf32, #tpu.memory_space<vmem>> -> memref<1x200x64xf32, #tpu.memory_space<vmem>>
        %dma_start3A_663 = tpu.memref_squeeze %dma_start3A_662 : memref<1x200x64xf32, #tpu.memory_space<vmem>> -> memref<200x64xf32, #tpu.memory_space<vmem>>
        %dma_start3A_664 = arith.constant 0 : i32
        %dma_start3A_665 = tpu.memref_slice %arg5[%add3A_657, %dma_start3A_664] : memref<128x200xi32, #tpu.memory_space<vmem>> -> memref<1x200xi32, #tpu.memory_space<vmem>>
        %dma_start3A_666 = tpu.memref_squeeze %dma_start3A_665 : memref<1x200xi32, #tpu.memory_space<vmem>> -> memref<200xi32, #tpu.memory_space<vmem>>
        %dma_start3A_667 = arith.constant 0 : i32
        %dma_start3A_668 = arith.constant 0 : i32
        %dma_start3A_669 = tpu.memref_slice %arg3[%dma_start3A_667, %dma_start3A_668] : memref<1000000x64xf32, #tpu.memory_space<hbm>> -> memref<1000000x64xf32, #tpu.memory_space<hbm>>
        %dma_start3A_670 = tpu.memref_slice %arg7[%dma_start3A_659] : memref<8x!tpu.dma_semaphore, #tpu.memory_space<semaphore_mem>> -> memref<1x!tpu.dma_semaphore, #tpu.memory_space<semaphore_mem>>
        %dma_start3A_671 = tpu.memref_squeeze %dma_start3A_670 : memref<1x!tpu.dma_semaphore, #tpu.memory_space<semaphore_mem>> -> memref<!tpu.dma_semaphore, #tpu.memory_space<semaphore_mem>>
        tpu.enqueue_indirect_dma source(%dma_start3A_669 : memref<1000000x64xf32, #tpu.memory_space<hbm>>) target(%dma_start3A_663 : memref<200x64xf32, #tpu.memory_space<vmem>>) offsets(%dma_start3A_666 : memref<200xi32, #tpu.memory_space<vmem>>) semaphore(%dma_start3A_671 : memref<!tpu.dma_semaphore, #tpu.memory_space<semaphore_mem>>)
      } else {
      }
      %dma_wait3A_492 = arith.constant 2 : i32
      %dma_wait3A_493 = arith.constant 2 : i32
      %dma_wait3A_494 = arith.constant 0 : i32
      %dma_wait3A_495 = arith.constant 0 : i32
      %dma_wait3A_496 = tpu.memref_slice %arg6[%dma_wait3A_492, %dma_wait3A_494, %dma_wait3A_495] : memref<8x200x64xf32, #tpu.memory_space<vmem>> -> memref<1x200x64xf32, #tpu.memory_space<vmem>>
      %dma_wait3A_497 = tpu.memref_squeeze %dma_wait3A_496 : memref<1x200x64xf32, #tpu.memory_space<vmem>> -> memref<200x64xf32, #tpu.memory_space<vmem>>
      %dma_wait3A_498 = arith.constant 0 : i32
      %dma_wait3A_499 = arith.constant 0 : i32
      %dma_wait3A_500 = tpu.memref_slice %arg4[%dma_wait3A_498, %dma_wait3A_499] : memref<819200x128xf32, #tpu.memory_space<hbm>> -> memref<200x64xf32, #tpu.memory_space<hbm>>
      %dma_wait3A_501 = tpu.memref_slice %arg8[%dma_wait3A_493] : memref<8x!tpu.dma_semaphore, #tpu.memory_space<semaphore_mem>> -> memref<1x!tpu.dma_semaphore, #tpu.memory_space<semaphore_mem>>
      %dma_wait3A_502 = tpu.memref_squeeze %dma_wait3A_501 : memref<1x!tpu.dma_semaphore, #tpu.memory_space<semaphore_mem>> -> memref<!tpu.dma_semaphore, #tpu.memory_space<semaphore_mem>>
      %dma_wait3A_503 = arith.constant 0 : i32
      %dma_wait3A_504 = arith.constant 0 : i32
      %dma_wait3A_505 = tpu.memref_slice %arg4[%dma_wait3A_503, %dma_wait3A_504] : memref<819200x128xf32, #tpu.memory_space<hbm>> -> memref<200x64xf32, #tpu.memory_space<hbm>>
      %dma_wait3A_506 = arith.constant 0 : i32
      %dma_wait3A_507 = arith.constant 0 : i32
      %dma_wait3A_508 = tpu.memref_slice %arg6[%dma_wait3A_492, %dma_wait3A_506, %dma_wait3A_507] : memref<8x200x64xf32, #tpu.memory_space<vmem>> -> memref<1x200x64xf32, #tpu.memory_space<vmem>>
      %dma_wait3A_509 = tpu.memref_squeeze %dma_wait3A_508 : memref<1x200x64xf32, #tpu.memory_space<vmem>> -> memref<200x64xf32, #tpu.memory_space<vmem>>
      tpu.wait_dma2 semaphore(%dma_wait3A_502 : memref<!tpu.dma_semaphore, #tpu.memory_space<semaphore_mem>>) src(%dma_wait3A_509 : memref<200x64xf32, #tpu.memory_space<vmem>>) dst(%dma_wait3A_505 : memref<200x64xf32, #tpu.memory_space<hbm>>)
      %add3A_510 = arith.constant 8 : i32
      %add3A_511 = arith.addi %mul3A_129, %add3A_510 : i32
      %add3A_512 = arith.constant 2 : i32
      %add3A_513 = arith.addi %add3A_511, %add3A_512 : i32
      %lt3A_514 = arith.constant 128 : i32
      %lt3A_515 = arith.cmpi slt, %add3A_513, %lt3A_514 : i32
      %convert_element_type3A_516 = arith.extui %lt3A_515 : i1 to i32
      %cond3A_517 = arith.constant 0 : i32
      %cond3A_518 = arith.cmpi ne, %convert_element_type3A_516, %cond3A_517 : i32
      scf.if %cond3A_518 {
        %add3A_654 = arith.constant 8 : i32
        %add3A_655 = arith.addi %mul3A_129, %add3A_654 : i32
        %add3A_656 = arith.constant 2 : i32
        %add3A_657 = arith.addi %add3A_655, %add3A_656 : i32
        %dma_start3A_658 = arith.constant 2 : i32
        %dma_start3A_659 = arith.constant 2 : i32
        %dma_start3A_660 = arith.constant 0 : i32
        %dma_start3A_661 = arith.constant 0 : i32
        %dma_start3A_662 = tpu.memref_slice %arg6[%dma_start3A_658, %dma_start3A_660, %dma_start3A_661] : memref<8x200x64xf32, #tpu.memory_space<vmem>> -> memref<1x200x64xf32, #tpu.memory_space<vmem>>
        %dma_start3A_663 = tpu.memref_squeeze %dma_start3A_662 : memref<1x200x64xf32, #tpu.memory_space<vmem>> -> memref<200x64xf32, #tpu.memory_space<vmem>>
        %dma_start3A_664 = arith.constant 0 : i32
        %dma_start3A_665 = tpu.memref_slice %arg5[%add3A_657, %dma_start3A_664] : memref<128x200xi32, #tpu.memory_space<vmem>> -> memref<1x200xi32, #tpu.memory_space<vmem>>
        %dma_start3A_666 = tpu.memref_squeeze %dma_start3A_665 : memref<1x200xi32, #tpu.memory_space<vmem>> -> memref<200xi32, #tpu.memory_space<vmem>>
        %dma_start3A_667 = arith.constant 0 : i32
        %dma_start3A_668 = arith.constant 0 : i32
        %dma_start3A_669 = tpu.memref_slice %arg3[%dma_start3A_667, %dma_start3A_668] : memref<1000000x64xf32, #tpu.memory_space<hbm>> -> memref<1000000x64xf32, #tpu.memory_space<hbm>>
        %dma_start3A_670 = tpu.memref_slice %arg7[%dma_start3A_659] : memref<8x!tpu.dma_semaphore, #tpu.memory_space<semaphore_mem>> -> memref<1x!tpu.dma_semaphore, #tpu.memory_space<semaphore_mem>>
        %dma_start3A_671 = tpu.memref_squeeze %dma_start3A_670 : memref<1x!tpu.dma_semaphore, #tpu.memory_space<semaphore_mem>> -> memref<!tpu.dma_semaphore, #tpu.memory_space<semaphore_mem>>
        tpu.enqueue_indirect_dma source(%dma_start3A_669 : memref<1000000x64xf32, #tpu.memory_space<hbm>>) target(%dma_start3A_663 : memref<200x64xf32, #tpu.memory_space<vmem>>) offsets(%dma_start3A_666 : memref<200xi32, #tpu.memory_space<vmem>>) semaphore(%dma_start3A_671 : memref<!tpu.dma_semaphore, #tpu.memory_space<semaphore_mem>>)
      } else {
      }
      %dma_wait3A_519 = arith.constant 3 : i32
      %dma_wait3A_520 = arith.constant 3 : i32
      %dma_wait3A_521 = arith.constant 0 : i32
      %dma_wait3A_522 = arith.constant 0 : i32
      %dma_wait3A_523 = tpu.memref_slice %arg6[%dma_wait3A_519, %dma_wait3A_521, %dma_wait3A_522] : memref<8x200x64xf32, #tpu.memory_space<vmem>> -> memref<1x200x64xf32, #tpu.memory_space<vmem>>
      %dma_wait3A_524 = tpu.memref_squeeze %dma_wait3A_523 : memref<1x200x64xf32, #tpu.memory_space<vmem>> -> memref<200x64xf32, #tpu.memory_space<vmem>>
      %dma_wait3A_525 = arith.constant 0 : i32
      %dma_wait3A_526 = arith.constant 0 : i32
      %dma_wait3A_527 = tpu.memref_slice %arg4[%dma_wait3A_525, %dma_wait3A_526] : memref<819200x128xf32, #tpu.memory_space<hbm>> -> memref<200x64xf32, #tpu.memory_space<hbm>>
      %dma_wait3A_528 = tpu.memref_slice %arg8[%dma_wait3A_520] : memref<8x!tpu.dma_semaphore, #tpu.memory_space<semaphore_mem>> -> memref<1x!tpu.dma_semaphore, #tpu.memory_space<semaphore_mem>>
      %dma_wait3A_529 = tpu.memref_squeeze %dma_wait3A_528 : memref<1x!tpu.dma_semaphore, #tpu.memory_space<semaphore_mem>> -> memref<!tpu.dma_semaphore, #tpu.memory_space<semaphore_mem>>
      %dma_wait3A_530 = arith.constant 0 : i32
      %dma_wait3A_531 = arith.constant 0 : i32
      %dma_wait3A_532 = tpu.memref_slice %arg4[%dma_wait3A_530, %dma_wait3A_531] : memref<819200x128xf32, #tpu.memory_space<hbm>> -> memref<200x64xf32, #tpu.memory_space<hbm>>
      %dma_wait3A_533 = arith.constant 0 : i32
      %dma_wait3A_534 = arith.constant 0 : i32
      %dma_wait3A_535 = tpu.memref_slice %arg6[%dma_wait3A_519, %dma_wait3A_533, %dma_wait3A_534] : memref<8x200x64xf32, #tpu.memory_space<vmem>> -> memref<1x200x64xf32, #tpu.memory_space<vmem>>
      %dma_wait3A_536 = tpu.memref_squeeze %dma_wait3A_535 : memref<1x200x64xf32, #tpu.memory_space<vmem>> -> memref<200x64xf32, #tpu.memory_space<vmem>>
      tpu.wait_dma2 semaphore(%dma_wait3A_529 : memref<!tpu.dma_semaphore, #tpu.memory_space<semaphore_mem>>) src(%dma_wait3A_536 : memref<200x64xf32, #tpu.memory_space<vmem>>) dst(%dma_wait3A_532 : memref<200x64xf32, #tpu.memory_space<hbm>>)
      %add3A_537 = arith.constant 8 : i32
      %add3A_538 = arith.addi %mul3A_129, %add3A_537 : i32
      %add3A_539 = arith.constant 3 : i32
      %add3A_540 = arith.addi %add3A_538, %add3A_539 : i32
      %lt3A_541 = arith.constant 128 : i32
      %lt3A_542 = arith.cmpi slt, %add3A_540, %lt3A_541 : i32
      %convert_element_type3A_543 = arith.extui %lt3A_542 : i1 to i32
      %cond3A_544 = arith.constant 0 : i32
      %cond3A_545 = arith.cmpi ne, %convert_element_type3A_543, %cond3A_544 : i32
      scf.if %cond3A_545 {
        %add3A_654 = arith.constant 8 : i32
        %add3A_655 = arith.addi %mul3A_129, %add3A_654 : i32
        %add3A_656 = arith.constant 3 : i32
        %add3A_657 = arith.addi %add3A_655, %add3A_656 : i32
        %dma_start3A_658 = arith.constant 3 : i32
        %dma_start3A_659 = arith.constant 3 : i32
        %dma_start3A_660 = arith.constant 0 : i32
        %dma_start3A_661 = arith.constant 0 : i32
        %dma_start3A_662 = tpu.memref_slice %arg6[%dma_start3A_658, %dma_start3A_660, %dma_start3A_661] : memref<8x200x64xf32, #tpu.memory_space<vmem>> -> memref<1x200x64xf32, #tpu.memory_space<vmem>>
        %dma_start3A_663 = tpu.memref_squeeze %dma_start3A_662 : memref<1x200x64xf32, #tpu.memory_space<vmem>> -> memref<200x64xf32, #tpu.memory_space<vmem>>
        %dma_start3A_664 = arith.constant 0 : i32
        %dma_start3A_665 = tpu.memref_slice %arg5[%add3A_657, %dma_start3A_664] : memref<128x200xi32, #tpu.memory_space<vmem>> -> memref<1x200xi32, #tpu.memory_space<vmem>>
        %dma_start3A_666 = tpu.memref_squeeze %dma_start3A_665 : memref<1x200xi32, #tpu.memory_space<vmem>> -> memref<200xi32, #tpu.memory_space<vmem>>
        %dma_start3A_667 = arith.constant 0 : i32
        %dma_start3A_668 = arith.constant 0 : i32
        %dma_start3A_669 = tpu.memref_slice %arg3[%dma_start3A_667, %dma_start3A_668] : memref<1000000x64xf32, #tpu.memory_space<hbm>> -> memref<1000000x64xf32, #tpu.memory_space<hbm>>
        %dma_start3A_670 = tpu.memref_slice %arg7[%dma_start3A_659] : memref<8x!tpu.dma_semaphore, #tpu.memory_space<semaphore_mem>> -> memref<1x!tpu.dma_semaphore, #tpu.memory_space<semaphore_mem>>
        %dma_start3A_671 = tpu.memref_squeeze %dma_start3A_670 : memref<1x!tpu.dma_semaphore, #tpu.memory_space<semaphore_mem>> -> memref<!tpu.dma_semaphore, #tpu.memory_space<semaphore_mem>>
        tpu.enqueue_indirect_dma source(%dma_start3A_669 : memref<1000000x64xf32, #tpu.memory_space<hbm>>) target(%dma_start3A_663 : memref<200x64xf32, #tpu.memory_space<vmem>>) offsets(%dma_start3A_666 : memref<200xi32, #tpu.memory_space<vmem>>) semaphore(%dma_start3A_671 : memref<!tpu.dma_semaphore, #tpu.memory_space<semaphore_mem>>)
      } else {
      }
      %dma_wait3A_546 = arith.constant 4 : i32
      %dma_wait3A_547 = arith.constant 4 : i32
      %dma_wait3A_548 = arith.constant 0 : i32
      %dma_wait3A_549 = arith.constant 0 : i32
      %dma_wait3A_550 = tpu.memref_slice %arg6[%dma_wait3A_546, %dma_wait3A_548, %dma_wait3A_549] : memref<8x200x64xf32, #tpu.memory_space<vmem>> -> memref<1x200x64xf32, #tpu.memory_space<vmem>>
      %dma_wait3A_551 = tpu.memref_squeeze %dma_wait3A_550 : memref<1x200x64xf32, #tpu.memory_space<vmem>> -> memref<200x64xf32, #tpu.memory_space<vmem>>
      %dma_wait3A_552 = arith.constant 0 : i32
      %dma_wait3A_553 = arith.constant 0 : i32
      %dma_wait3A_554 = tpu.memref_slice %arg4[%dma_wait3A_552, %dma_wait3A_553] : memref<819200x128xf32, #tpu.memory_space<hbm>> -> memref<200x64xf32, #tpu.memory_space<hbm>>
      %dma_wait3A_555 = tpu.memref_slice %arg8[%dma_wait3A_547] : memref<8x!tpu.dma_semaphore, #tpu.memory_space<semaphore_mem>> -> memref<1x!tpu.dma_semaphore, #tpu.memory_space<semaphore_mem>>
      %dma_wait3A_556 = tpu.memref_squeeze %dma_wait3A_555 : memref<1x!tpu.dma_semaphore, #tpu.memory_space<semaphore_mem>> -> memref<!tpu.dma_semaphore, #tpu.memory_space<semaphore_mem>>
      %dma_wait3A_557 = arith.constant 0 : i32
      %dma_wait3A_558 = arith.constant 0 : i32
      %dma_wait3A_559 = tpu.memref_slice %arg4[%dma_wait3A_557, %dma_wait3A_558] : memref<819200x128xf32, #tpu.memory_space<hbm>> -> memref<200x64xf32, #tpu.memory_space<hbm>>
      %dma_wait3A_560 = arith.constant 0 : i32
      %dma_wait3A_561 = arith.constant 0 : i32
      %dma_wait3A_562 = tpu.memref_slice %arg6[%dma_wait3A_546, %dma_wait3A_560, %dma_wait3A_561] : memref<8x200x64xf32, #tpu.memory_space<vmem>> -> memref<1x200x64xf32, #tpu.memory_space<vmem>>
      %dma_wait3A_563 = tpu.memref_squeeze %dma_wait3A_562 : memref<1x200x64xf32, #tpu.memory_space<vmem>> -> memref<200x64xf32, #tpu.memory_space<vmem>>
      tpu.wait_dma2 semaphore(%dma_wait3A_556 : memref<!tpu.dma_semaphore, #tpu.memory_space<semaphore_mem>>) src(%dma_wait3A_563 : memref<200x64xf32, #tpu.memory_space<vmem>>) dst(%dma_wait3A_559 : memref<200x64xf32, #tpu.memory_space<hbm>>)
      %add3A_564 = arith.constant 8 : i32
      %add3A_565 = arith.addi %mul3A_129, %add3A_564 : i32
      %add3A_566 = arith.constant 4 : i32
      %add3A_567 = arith.addi %add3A_565, %add3A_566 : i32
      %lt3A_568 = arith.constant 128 : i32
      %lt3A_569 = arith.cmpi slt, %add3A_567, %lt3A_568 : i32
      %convert_element_type3A_570 = arith.extui %lt3A_569 : i1 to i32
      %cond3A_571 = arith.constant 0 : i32
      %cond3A_572 = arith.cmpi ne, %convert_element_type3A_570, %cond3A_571 : i32
      scf.if %cond3A_572 {
        %add3A_654 = arith.constant 8 : i32
        %add3A_655 = arith.addi %mul3A_129, %add3A_654 : i32
        %add3A_656 = arith.constant 4 : i32
        %add3A_657 = arith.addi %add3A_655, %add3A_656 : i32
        %dma_start3A_658 = arith.constant 4 : i32
        %dma_start3A_659 = arith.constant 4 : i32
        %dma_start3A_660 = arith.constant 0 : i32
        %dma_start3A_661 = arith.constant 0 : i32
        %dma_start3A_662 = tpu.memref_slice %arg6[%dma_start3A_658, %dma_start3A_660, %dma_start3A_661] : memref<8x200x64xf32, #tpu.memory_space<vmem>> -> memref<1x200x64xf32, #tpu.memory_space<vmem>>
        %dma_start3A_663 = tpu.memref_squeeze %dma_start3A_662 : memref<1x200x64xf32, #tpu.memory_space<vmem>> -> memref<200x64xf32, #tpu.memory_space<vmem>>
        %dma_start3A_664 = arith.constant 0 : i32
        %dma_start3A_665 = tpu.memref_slice %arg5[%add3A_657, %dma_start3A_664] : memref<128x200xi32, #tpu.memory_space<vmem>> -> memref<1x200xi32, #tpu.memory_space<vmem>>
        %dma_start3A_666 = tpu.memref_squeeze %dma_start3A_665 : memref<1x200xi32, #tpu.memory_space<vmem>> -> memref<200xi32, #tpu.memory_space<vmem>>
        %dma_start3A_667 = arith.constant 0 : i32
        %dma_start3A_668 = arith.constant 0 : i32
        %dma_start3A_669 = tpu.memref_slice %arg3[%dma_start3A_667, %dma_start3A_668] : memref<1000000x64xf32, #tpu.memory_space<hbm>> -> memref<1000000x64xf32, #tpu.memory_space<hbm>>
        %dma_start3A_670 = tpu.memref_slice %arg7[%dma_start3A_659] : memref<8x!tpu.dma_semaphore, #tpu.memory_space<semaphore_mem>> -> memref<1x!tpu.dma_semaphore, #tpu.memory_space<semaphore_mem>>
        %dma_start3A_671 = tpu.memref_squeeze %dma_start3A_670 : memref<1x!tpu.dma_semaphore, #tpu.memory_space<semaphore_mem>> -> memref<!tpu.dma_semaphore, #tpu.memory_space<semaphore_mem>>
        tpu.enqueue_indirect_dma source(%dma_start3A_669 : memref<1000000x64xf32, #tpu.memory_space<hbm>>) target(%dma_start3A_663 : memref<200x64xf32, #tpu.memory_space<vmem>>) offsets(%dma_start3A_666 : memref<200xi32, #tpu.memory_space<vmem>>) semaphore(%dma_start3A_671 : memref<!tpu.dma_semaphore, #tpu.memory_space<semaphore_mem>>)
      } else {
      }
      %dma_wait3A_573 = arith.constant 5 : i32
      %dma_wait3A_574 = arith.constant 5 : i32
      %dma_wait3A_575 = arith.constant 0 : i32
      %dma_wait3A_576 = arith.constant 0 : i32
      %dma_wait3A_577 = tpu.memref_slice %arg6[%dma_wait3A_573, %dma_wait3A_575, %dma_wait3A_576] : memref<8x200x64xf32, #tpu.memory_space<vmem>> -> memref<1x200x64xf32, #tpu.memory_space<vmem>>
      %dma_wait3A_578 = tpu.memref_squeeze %dma_wait3A_577 : memref<1x200x64xf32, #tpu.memory_space<vmem>> -> memref<200x64xf32, #tpu.memory_space<vmem>>
      %dma_wait3A_579 = arith.constant 0 : i32
      %dma_wait3A_580 = arith.constant 0 : i32
      %dma_wait3A_581 = tpu.memref_slice %arg4[%dma_wait3A_579, %dma_wait3A_580] : memref<819200x128xf32, #tpu.memory_space<hbm>> -> memref<200x64xf32, #tpu.memory_space<hbm>>
      %dma_wait3A_582 = tpu.memref_slice %arg8[%dma_wait3A_574] : memref<8x!tpu.dma_semaphore, #tpu.memory_space<semaphore_mem>> -> memref<1x!tpu.dma_semaphore, #tpu.memory_space<semaphore_mem>>
      %dma_wait3A_583 = tpu.memref_squeeze %dma_wait3A_582 : memref<1x!tpu.dma_semaphore, #tpu.memory_space<semaphore_mem>> -> memref<!tpu.dma_semaphore, #tpu.memory_space<semaphore_mem>>
      %dma_wait3A_584 = arith.constant 0 : i32
      %dma_wait3A_585 = arith.constant 0 : i32
      %dma_wait3A_586 = tpu.memref_slice %arg4[%dma_wait3A_584, %dma_wait3A_585] : memref<819200x128xf32, #tpu.memory_space<hbm>> -> memref<200x64xf32, #tpu.memory_space<hbm>>
      %dma_wait3A_587 = arith.constant 0 : i32
      %dma_wait3A_588 = arith.constant 0 : i32
      %dma_wait3A_589 = tpu.memref_slice %arg6[%dma_wait3A_573, %dma_wait3A_587, %dma_wait3A_588] : memref<8x200x64xf32, #tpu.memory_space<vmem>> -> memref<1x200x64xf32, #tpu.memory_space<vmem>>
      %dma_wait3A_590 = tpu.memref_squeeze %dma_wait3A_589 : memref<1x200x64xf32, #tpu.memory_space<vmem>> -> memref<200x64xf32, #tpu.memory_space<vmem>>
      tpu.wait_dma2 semaphore(%dma_wait3A_583 : memref<!tpu.dma_semaphore, #tpu.memory_space<semaphore_mem>>) src(%dma_wait3A_590 : memref<200x64xf32, #tpu.memory_space<vmem>>) dst(%dma_wait3A_586 : memref<200x64xf32, #tpu.memory_space<hbm>>)
      %add3A_591 = arith.constant 8 : i32
      %add3A_592 = arith.addi %mul3A_129, %add3A_591 : i32
      %add3A_593 = arith.constant 5 : i32
      %add3A_594 = arith.addi %add3A_592, %add3A_593 : i32
      %lt3A_595 = arith.constant 128 : i32
      %lt3A_596 = arith.cmpi slt, %add3A_594, %lt3A_595 : i32
      %convert_element_type3A_597 = arith.extui %lt3A_596 : i1 to i32
      %cond3A_598 = arith.constant 0 : i32
      %cond3A_599 = arith.cmpi ne, %convert_element_type3A_597, %cond3A_598 : i32
      scf.if %cond3A_599 {
        %add3A_654 = arith.constant 8 : i32
        %add3A_655 = arith.addi %mul3A_129, %add3A_654 : i32
        %add3A_656 = arith.constant 5 : i32
        %add3A_657 = arith.addi %add3A_655, %add3A_656 : i32
        %dma_start3A_658 = arith.constant 5 : i32
        %dma_start3A_659 = arith.constant 5 : i32
        %dma_start3A_660 = arith.constant 0 : i32
        %dma_start3A_661 = arith.constant 0 : i32
        %dma_start3A_662 = tpu.memref_slice %arg6[%dma_start3A_658, %dma_start3A_660, %dma_start3A_661] : memref<8x200x64xf32, #tpu.memory_space<vmem>> -> memref<1x200x64xf32, #tpu.memory_space<vmem>>
        %dma_start3A_663 = tpu.memref_squeeze %dma_start3A_662 : memref<1x200x64xf32, #tpu.memory_space<vmem>> -> memref<200x64xf32, #tpu.memory_space<vmem>>
        %dma_start3A_664 = arith.constant 0 : i32
        %dma_start3A_665 = tpu.memref_slice %arg5[%add3A_657, %dma_start3A_664] : memref<128x200xi32, #tpu.memory_space<vmem>> -> memref<1x200xi32, #tpu.memory_space<vmem>>
        %dma_start3A_666 = tpu.memref_squeeze %dma_start3A_665 : memref<1x200xi32, #tpu.memory_space<vmem>> -> memref<200xi32, #tpu.memory_space<vmem>>
        %dma_start3A_667 = arith.constant 0 : i32
        %dma_start3A_668 = arith.constant 0 : i32
        %dma_start3A_669 = tpu.memref_slice %arg3[%dma_start3A_667, %dma_start3A_668] : memref<1000000x64xf32, #tpu.memory_space<hbm>> -> memref<1000000x64xf32, #tpu.memory_space<hbm>>
        %dma_start3A_670 = tpu.memref_slice %arg7[%dma_start3A_659] : memref<8x!tpu.dma_semaphore, #tpu.memory_space<semaphore_mem>> -> memref<1x!tpu.dma_semaphore, #tpu.memory_space<semaphore_mem>>
        %dma_start3A_671 = tpu.memref_squeeze %dma_start3A_670 : memref<1x!tpu.dma_semaphore, #tpu.memory_space<semaphore_mem>> -> memref<!tpu.dma_semaphore, #tpu.memory_space<semaphore_mem>>
        tpu.enqueue_indirect_dma source(%dma_start3A_669 : memref<1000000x64xf32, #tpu.memory_space<hbm>>) target(%dma_start3A_663 : memref<200x64xf32, #tpu.memory_space<vmem>>) offsets(%dma_start3A_666 : memref<200xi32, #tpu.memory_space<vmem>>) semaphore(%dma_start3A_671 : memref<!tpu.dma_semaphore, #tpu.memory_space<semaphore_mem>>)
      } else {
      }
      %dma_wait3A_600 = arith.constant 6 : i32
      %dma_wait3A_601 = arith.constant 6 : i32
      %dma_wait3A_602 = arith.constant 0 : i32
      %dma_wait3A_603 = arith.constant 0 : i32
      %dma_wait3A_604 = tpu.memref_slice %arg6[%dma_wait3A_600, %dma_wait3A_602, %dma_wait3A_603] : memref<8x200x64xf32, #tpu.memory_space<vmem>> -> memref<1x200x64xf32, #tpu.memory_space<vmem>>
      %dma_wait3A_605 = tpu.memref_squeeze %dma_wait3A_604 : memref<1x200x64xf32, #tpu.memory_space<vmem>> -> memref<200x64xf32, #tpu.memory_space<vmem>>
      %dma_wait3A_606 = arith.constant 0 : i32
      %dma_wait3A_607 = arith.constant 0 : i32
      %dma_wait3A_608 = tpu.memref_slice %arg4[%dma_wait3A_606, %dma_wait3A_607] : memref<819200x128xf32, #tpu.memory_space<hbm>> -> memref<200x64xf32, #tpu.memory_space<hbm>>
      %dma_wait3A_609 = tpu.memref_slice %arg8[%dma_wait3A_601] : memref<8x!tpu.dma_semaphore, #tpu.memory_space<semaphore_mem>> -> memref<1x!tpu.dma_semaphore, #tpu.memory_space<semaphore_mem>>
      %dma_wait3A_610 = tpu.memref_squeeze %dma_wait3A_609 : memref<1x!tpu.dma_semaphore, #tpu.memory_space<semaphore_mem>> -> memref<!tpu.dma_semaphore, #tpu.memory_space<semaphore_mem>>
      %dma_wait3A_611 = arith.constant 0 : i32
      %dma_wait3A_612 = arith.constant 0 : i32
      %dma_wait3A_613 = tpu.memref_slice %arg4[%dma_wait3A_611, %dma_wait3A_612] : memref<819200x128xf32, #tpu.memory_space<hbm>> -> memref<200x64xf32, #tpu.memory_space<hbm>>
      %dma_wait3A_614 = arith.constant 0 : i32
      %dma_wait3A_615 = arith.constant 0 : i32
      %dma_wait3A_616 = tpu.memref_slice %arg6[%dma_wait3A_600, %dma_wait3A_614, %dma_wait3A_615] : memref<8x200x64xf32, #tpu.memory_space<vmem>> -> memref<1x200x64xf32, #tpu.memory_space<vmem>>
      %dma_wait3A_617 = tpu.memref_squeeze %dma_wait3A_616 : memref<1x200x64xf32, #tpu.memory_space<vmem>> -> memref<200x64xf32, #tpu.memory_space<vmem>>
      tpu.wait_dma2 semaphore(%dma_wait3A_610 : memref<!tpu.dma_semaphore, #tpu.memory_space<semaphore_mem>>) src(%dma_wait3A_617 : memref<200x64xf32, #tpu.memory_space<vmem>>) dst(%dma_wait3A_613 : memref<200x64xf32, #tpu.memory_space<hbm>>)
      %add3A_618 = arith.constant 8 : i32
      %add3A_619 = arith.addi %mul3A_129, %add3A_618 : i32
      %add3A_620 = arith.constant 6 : i32
      %add3A_621 = arith.addi %add3A_619, %add3A_620 : i32
      %lt3A_622 = arith.constant 128 : i32
      %lt3A_623 = arith.cmpi slt, %add3A_621, %lt3A_622 : i32
      %convert_element_type3A_624 = arith.extui %lt3A_623 : i1 to i32
      %cond3A_625 = arith.constant 0 : i32
      %cond3A_626 = arith.cmpi ne, %convert_element_type3A_624, %cond3A_625 : i32
      scf.if %cond3A_626 {
        %add3A_654 = arith.constant 8 : i32
        %add3A_655 = arith.addi %mul3A_129, %add3A_654 : i32
        %add3A_656 = arith.constant 6 : i32
        %add3A_657 = arith.addi %add3A_655, %add3A_656 : i32
        %dma_start3A_658 = arith.constant 6 : i32
        %dma_start3A_659 = arith.constant 6 : i32
        %dma_start3A_660 = arith.constant 0 : i32
        %dma_start3A_661 = arith.constant 0 : i32
        %dma_start3A_662 = tpu.memref_slice %arg6[%dma_start3A_658, %dma_start3A_660, %dma_start3A_661] : memref<8x200x64xf32, #tpu.memory_space<vmem>> -> memref<1x200x64xf32, #tpu.memory_space<vmem>>
        %dma_start3A_663 = tpu.memref_squeeze %dma_start3A_662 : memref<1x200x64xf32, #tpu.memory_space<vmem>> -> memref<200x64xf32, #tpu.memory_space<vmem>>
        %dma_start3A_664 = arith.constant 0 : i32
        %dma_start3A_665 = tpu.memref_slice %arg5[%add3A_657, %dma_start3A_664] : memref<128x200xi32, #tpu.memory_space<vmem>> -> memref<1x200xi32, #tpu.memory_space<vmem>>
        %dma_start3A_666 = tpu.memref_squeeze %dma_start3A_665 : memref<1x200xi32, #tpu.memory_space<vmem>> -> memref<200xi32, #tpu.memory_space<vmem>>
        %dma_start3A_667 = arith.constant 0 : i32
        %dma_start3A_668 = arith.constant 0 : i32
        %dma_start3A_669 = tpu.memref_slice %arg3[%dma_start3A_667, %dma_start3A_668] : memref<1000000x64xf32, #tpu.memory_space<hbm>> -> memref<1000000x64xf32, #tpu.memory_space<hbm>>
        %dma_start3A_670 = tpu.memref_slice %arg7[%dma_start3A_659] : memref<8x!tpu.dma_semaphore, #tpu.memory_space<semaphore_mem>> -> memref<1x!tpu.dma_semaphore, #tpu.memory_space<semaphore_mem>>
        %dma_start3A_671 = tpu.memref_squeeze %dma_start3A_670 : memref<1x!tpu.dma_semaphore, #tpu.memory_space<semaphore_mem>> -> memref<!tpu.dma_semaphore, #tpu.memory_space<semaphore_mem>>
        tpu.enqueue_indirect_dma source(%dma_start3A_669 : memref<1000000x64xf32, #tpu.memory_space<hbm>>) target(%dma_start3A_663 : memref<200x64xf32, #tpu.memory_space<vmem>>) offsets(%dma_start3A_666 : memref<200xi32, #tpu.memory_space<vmem>>) semaphore(%dma_start3A_671 : memref<!tpu.dma_semaphore, #tpu.memory_space<semaphore_mem>>)
      } else {
      }
      %dma_wait3A_627 = arith.constant 7 : i32
      %dma_wait3A_628 = arith.constant 7 : i32
      %dma_wait3A_629 = arith.constant 0 : i32
      %dma_wait3A_630 = arith.constant 0 : i32
      %dma_wait3A_631 = tpu.memref_slice %arg6[%dma_wait3A_627, %dma_wait3A_629, %dma_wait3A_630] : memref<8x200x64xf32, #tpu.memory_space<vmem>> -> memref<1x200x64xf32, #tpu.memory_space<vmem>>
      %dma_wait3A_632 = tpu.memref_squeeze %dma_wait3A_631 : memref<1x200x64xf32, #tpu.memory_space<vmem>> -> memref<200x64xf32, #tpu.memory_space<vmem>>
      %dma_wait3A_633 = arith.constant 0 : i32
      %dma_wait3A_634 = arith.constant 0 : i32
      %dma_wait3A_635 = tpu.memref_slice %arg4[%dma_wait3A_633, %dma_wait3A_634] : memref<819200x128xf32, #tpu.memory_space<hbm>> -> memref<200x64xf32, #tpu.memory_space<hbm>>
      %dma_wait3A_636 = tpu.memref_slice %arg8[%dma_wait3A_628] : memref<8x!tpu.dma_semaphore, #tpu.memory_space<semaphore_mem>> -> memref<1x!tpu.dma_semaphore, #tpu.memory_space<semaphore_mem>>
      %dma_wait3A_637 = tpu.memref_squeeze %dma_wait3A_636 : memref<1x!tpu.dma_semaphore, #tpu.memory_space<semaphore_mem>> -> memref<!tpu.dma_semaphore, #tpu.memory_space<semaphore_mem>>
      %dma_wait3A_638 = arith.constant 0 : i32
      %dma_wait3A_639 = arith.constant 0 : i32
      %dma_wait3A_640 = tpu.memref_slice %arg4[%dma_wait3A_638, %dma_wait3A_639] : memref<819200x128xf32, #tpu.memory_space<hbm>> -> memref<200x64xf32, #tpu.memory_space<hbm>>
      %dma_wait3A_641 = arith.constant 0 : i32
      %dma_wait3A_642 = arith.constant 0 : i32
      %dma_wait3A_643 = tpu.memref_slice %arg6[%dma_wait3A_627, %dma_wait3A_641, %dma_wait3A_642] : memref<8x200x64xf32, #tpu.memory_space<vmem>> -> memref<1x200x64xf32, #tpu.memory_space<vmem>>
      %dma_wait3A_644 = tpu.memref_squeeze %dma_wait3A_643 : memref<1x200x64xf32, #tpu.memory_space<vmem>> -> memref<200x64xf32, #tpu.memory_space<vmem>>
      tpu.wait_dma2 semaphore(%dma_wait3A_637 : memref<!tpu.dma_semaphore, #tpu.memory_space<semaphore_mem>>) src(%dma_wait3A_644 : memref<200x64xf32, #tpu.memory_space<vmem>>) dst(%dma_wait3A_640 : memref<200x64xf32, #tpu.memory_space<hbm>>)
      %add3A_645 = arith.constant 8 : i32
      %add3A_646 = arith.addi %mul3A_129, %add3A_645 : i32
      %add3A_647 = arith.constant 7 : i32
      %add3A_648 = arith.addi %add3A_646, %add3A_647 : i32
      %lt3A_649 = arith.constant 128 : i32
      %lt3A_650 = arith.cmpi slt, %add3A_648, %lt3A_649 : i32
      %convert_element_type3A_651 = arith.extui %lt3A_650 : i1 to i32
      %cond3A_652 = arith.constant 0 : i32
      %cond3A_653 = arith.cmpi ne, %convert_element_type3A_651, %cond3A_652 : i32
      scf.if %cond3A_653 {
        %add3A_654 = arith.constant 8 : i32
        %add3A_655 = arith.addi %mul3A_129, %add3A_654 : i32
        %add3A_656 = arith.constant 7 : i32
        %add3A_657 = arith.addi %add3A_655, %add3A_656 : i32
        %dma_start3A_658 = arith.constant 7 : i32
        %dma_start3A_659 = arith.constant 7 : i32
        %dma_start3A_660 = arith.constant 0 : i32
        %dma_start3A_661 = arith.constant 0 : i32
        %dma_start3A_662 = tpu.memref_slice %arg6[%dma_start3A_658, %dma_start3A_660, %dma_start3A_661] : memref<8x200x64xf32, #tpu.memory_space<vmem>> -> memref<1x200x64xf32, #tpu.memory_space<vmem>>
        %dma_start3A_663 = tpu.memref_squeeze %dma_start3A_662 : memref<1x200x64xf32, #tpu.memory_space<vmem>> -> memref<200x64xf32, #tpu.memory_space<vmem>>
        %dma_start3A_664 = arith.constant 0 : i32
        %dma_start3A_665 = tpu.memref_slice %arg5[%add3A_657, %dma_start3A_664] : memref<128x200xi32, #tpu.memory_space<vmem>> -> memref<1x200xi32, #tpu.memory_space<vmem>>
        %dma_start3A_666 = tpu.memref_squeeze %dma_start3A_665 : memref<1x200xi32, #tpu.memory_space<vmem>> -> memref<200xi32, #tpu.memory_space<vmem>>
        %dma_start3A_667 = arith.constant 0 : i32
        %dma_start3A_668 = arith.constant 0 : i32
        %dma_start3A_669 = tpu.memref_slice %arg3[%dma_start3A_667, %dma_start3A_668] : memref<1000000x64xf32, #tpu.memory_space<hbm>> -> memref<1000000x64xf32, #tpu.memory_space<hbm>>
        %dma_start3A_670 = tpu.memref_slice %arg7[%dma_start3A_659] : memref<8x!tpu.dma_semaphore, #tpu.memory_space<semaphore_mem>> -> memref<1x!tpu.dma_semaphore, #tpu.memory_space<semaphore_mem>>
        %dma_start3A_671 = tpu.memref_squeeze %dma_start3A_670 : memref<1x!tpu.dma_semaphore, #tpu.memory_space<semaphore_mem>> -> memref<!tpu.dma_semaphore, #tpu.memory_space<semaphore_mem>>
        tpu.enqueue_indirect_dma source(%dma_start3A_669 : memref<1000000x64xf32, #tpu.memory_space<hbm>>) target(%dma_start3A_663 : memref<200x64xf32, #tpu.memory_space<vmem>>) offsets(%dma_start3A_666 : memref<200xi32, #tpu.memory_space<vmem>>) semaphore(%dma_start3A_671 : memref<!tpu.dma_semaphore, #tpu.memory_space<semaphore_mem>>)
      } else {
      }
    }
    %scan3A_126 = arith.constant 16 : i32
    return
  }
}

</mosaic_0001>

<sc_bundles>
// kernel: _embed.3.cloned.1.call-start
scs
__scs_entry_jumppad:
0x0: {  	(pc) =	sbr.rel $0x88, $3  }
0x1: {  	(tag) =	ssettag $0x0;
	lr =	simm.s32 $0x1  }
0x2: {  	[smem:$0x3F9F] =	sst lr;
	_ =	strace $0xD0000000  }
0x3: {  	_ = 	snop  }
0x4: {  	_ = 	snop  }
0x5: {  	_ = 	snop  }
0x6: {  	_ = 	snop  }
0x7: {  	_ = 	snop  }
__scs_overlays_trampoline_lowered:
0x8: {  	[smem:$0x3FAE] =	sst s0  }
0x9: {  	[smem:$0x3FAF] =	sst s1  }
0xa: {  	[smem:$0x3FB0] =	sst s2  }
0xb: {  	[smem:$0x3FB1] =	sst s3  }
0xc: {  	[smem:$0x3FB2] =	sst s4  }
0xd: {  	[smem:$0x3FB3] =	sst s5  }
0xe: {  	[smem:$0x3FB4] =	sst s6  }
0xf: {  	[smem:$0x3FB5] =	sst s7  }
0x10: {  	[smem:$0x3FB6] =	sst s8  }
0x11: {  	[smem:$0x3FB7] =	sst s9;
	s0 =	simm.s32 @!p0 $0x0  }
0x12: {  	s1 =	sld [smem:$0x3F9D];
	s0 =	simm.s32 @p0 $0x1  }
0x13: {  	[smem:$0x3FB8] =	sst s0;
	s0 =	simm.s32 @!p1 $0x0  }
0x14: {  	s2 =	sld [smem:$0x3F9C];
	s0 =	simm.s32 @p1 $0x1  }
0x15: {  	[smem:$0x3FB9] =	sst s0;
	s0 =	simm.s32 @!p2 $0x0  }
0x16: {  	s3 =	sld [smem:$0x3FDB];
	s0 =	simm.s32 @p2 $0x1  }
0x17: {  	s4 =	simm.s32 $0x1BF5;
	[smem:$0x3FBB] =	sst s0  }
0x18: {  	s0 =	sld [smem:$0x3F9E];
	_ =	swait.ge [sflag:s4], $0x0  }
0x19: {  	s7 =	sld [smem:$0x3F9F]  }
0x1a: {  	s8 =	sadd.s32 $0xFFFFE003, lr  }
0x1b: {  	s9 =	sadd.s32 $0xFFFFFEF7, lr;
	s5 =	simm.s32 $0xFFFFFFFF;
	p2 =	slt.u32 s8, $0xFFFFF086  }
0x1c: {  	p1 =	slt.u32 s9, $0xF7A;
	s5 =	simm.s32 @!p2 $0x0  }
0x1d: {  	s5 =	simm.s32 @p1 $0x1;
	p0 =	seq.s32 s7, s2  }
0x1e: {  	s7 =	smul.u32 @!p0 $0xF7A, s2;
	p2 =	seq.s32 @!p0 s5, $0x0  }
0x1f: {  	s9 =	smul.u32 $0xF7A, s1;
	s8 =	simm.s32 @!p0 $0x1BF5;
	p2 =	por !p2, p0  }
0x20: {  	[sflag:s8] =	ssyncset.s32 @!p0 $0xFFFFF086;
	s6 =	sadd.s32 @!p0 s3, s7;
	s7 =	simm.s32 @!p0 $0x108  }
0x21: {  	s3 =	sadd.s32 s3, s9;
	s6 =	sadd.s32 @!p0 $0x88, s6;
	s7 =	simm.s32 @p2 $0x1082  }
0x22: {  	[simem:s7], [sflag:s8] =	dma.local @!p0 [hbm:s6], $0xF7A  }
0x23: {  	s9 =	sor.u32 $0xD0000000, s2;
	s6 =	simm.s32 $0x108;
	_ =	swait.ge @!p0 [sflag:s8], $0x0  }
0x24: {  	s3 =	sadd.s32 $0x88, s3;
	s6 =	simm.s32 @!p1 $0x1082;
	[sflag:s4] =	ssyncset.s32 $0xFFFFF086  }
0x25: {  	[simem:s6], [sflag:s4] =	dma.local [hbm:s3], $0xF7A  }
0x26: {  	[smem:$0x3F9F] =	sst s1;
	(tag) =	ssettag s2;
	_ =	strace s9  }
0x27: {  	s1 =	sld [smem:$0x3FAF]  }
0x28: {  	s2 =	sld [smem:$0x3FB0]  }
0x29: {  	s4 =	sld [smem:$0x3FB2]  }
0x2a: {  	p0 =	seq.s32 s5, $0x0;
	s5 =	sld [smem:$0x3FB3]  }
0x2b: {  	s6 =	sld [smem:$0x3FB4]  }
0x2c: {  	s7 =	sld [smem:$0x3FB5]  }
0x2d: {  	s3 =	simm.s32 $0x108;
	s8 =	sld [smem:$0x3FB6]  }
0x2e: {  	s3 =	simm.s32 @!p0 $0x1082;
	s9 =	sld [smem:$0x3FB7]  }
0x2f: {  	lr =	sadd.s32 s0, s3;
	s0 =	sld [smem:$0x3FAE]  }
0x30: {  	s3 =	sld [smem:$0x3FB1]  }
0x31: {  	[smem:$0x3FBA] =	sst s10  }
0x32: {  	s10 =	sld [smem:$0x3FB8];
	_ =	sdelay $0x3  }
0x33: {  	p0 =	seq.s32 s10, $0x1;
	s10 =	sld [smem:$0x3FBA];
	_ =	sdelay $0x3  }
0x34: {  	[smem:$0x3FBA] =	sst s10  }
0x35: {  	s10 =	sld [smem:$0x3FB9];
	_ =	sdelay $0x3  }
0x36: {  	p1 =	seq.s32 s10, $0x1;
	s10 =	sld [smem:$0x3FBA];
	_ =	sdelay $0x3  }
0x37: {  	[smem:$0x3FBA] =	sst s10  }
0x38: {  	s10 =	sld [smem:$0x3FBB]  }
0x39: {  	_ = 	snop;
	(pc) =	sbr.ind lr, $3  }
0x3a: {  	_ = 	snop  }
0x3b: {  	_ = 	snop  }
0x3c: {  	p2 =	seq.s32 s10, $0x1;
	s10 =	sld [smem:$0x3FBA]  }
0x3d: {  	_ =	shalt  }
0x3e: {  	_ =	shalt  }
0x3f: {  	_ =	shalt  }
0x40: {  	_ =	shalt  }
0x41: {  	_ =	shalt  }
0x42: {  	_ =	shalt  }
0x43: {  	_ =	shalt  }
0x44: {  	_ =	shalt  }
0x45: {  	_ =	shalt  }
0x46: {  	_ =	shalt  }
0x47: {  	_ =	shalt  }
0x48: {  	_ =	shalt  }
0x49: {  	_ =	shalt  }
0x4a: {  	_ =	shalt  }
0x4b: {  	_ =	shalt  }
0x4c: {  	_ =	shalt  }
0x4d: {  	_ =	shalt  }
0x4e: {  	_ =	shalt  }
0x4f: {  	_ =	shalt  }
0x50: {  	_ =	shalt  }
0x51: {  	_ =	shalt  }
0x52: {  	_ =	shalt  }
0x53: {  	_ =	shalt  }
0x54: {  	_ =	shalt  }
0x55: {  	_ =	shalt  }
0x56: {  	_ =	shalt  }
0x57: {  	_ =	shalt  }
0x58: {  	_ =	shalt  }
0x59: {  	_ =	shalt  }
0x5a: {  	_ =	shalt  }
0x5b: {  	_ =	shalt  }
0x5c: {  	_ =	shalt  }
0x5d: {  	_ =	shalt  }
0x5e: {  	_ =	shalt  }
0x5f: {  	_ =	shalt  }
0x60: {  	_ =	shalt  }
0x61: {  	_ =	shalt  }
0x62: {  	_ =	shalt  }
0x63: {  	_ =	shalt  }
0x64: {  	_ =	shalt  }
0x65: {  	_ =	shalt  }
0x66: {  	_ =	shalt  }
0x67: {  	_ =	shalt  }
0x68: {  	_ =	shalt  }
0x69: {  	_ =	shalt  }
0x6a: {  	_ =	shalt  }
0x6b: {  	_ =	shalt  }
0x6c: {  	_ =	shalt  }
0x6d: {  	_ =	shalt  }
0x6e: {  	_ =	shalt  }
0x6f: {  	_ =	shalt  }
0x70: {  	_ =	shalt  }
0x71: {  	_ =	shalt  }
0x72: {  	_ =	shalt  }
0x73: {  	_ =	shalt  }
0x74: {  	_ =	shalt  }
0x75: {  	_ =	shalt  }
0x76: {  	_ =	shalt  }
0x77: {  	_ =	shalt  }
0x78: {  	_ =	shalt  }
0x79: {  	_ =	shalt  }
0x7a: {  	_ =	shalt  }
0x7b: {  	_ =	shalt  }
0x7c: {  	_ =	shalt  }
0x7d: {  	_ =	shalt  }
0x7e: {  	_ =	shalt  }
0x7f: {  	_ =	shalt  }
0x80: {  	_ =	shalt  }
0x81: {  	_ =	shalt  }
0x82: {  	_ =	shalt  }
0x83: {  	_ =	shalt  }
0x84: {  	_ =	shalt  }
0x85: {  	_ =	shalt  }
0x86: {  	_ =	shalt  }
0x87: {  	_ =	shalt  }
.Lfunc_end0:
.L_simem_size_0:
called_computation_lowered:
.L_overlay_start_0:
0x88: {  	s2 =	sld [smem:$0x3FD9]  }
0x89: {  	s3 =	sld [smem:$0x3FFE];
	_ =	sdelay $0x1  }
0x8a: {  	s1 =	srdreg.scid  }
0x8b: {  	s0 =	sand.u32 $0x1, s1  }
0x8c: {  	s17 =	sshll.u32 s0, $0xA;
	s2 =	sadd.s32 s3, s2  }
0x8d: {  	s2 =	sadd.s32 s2, s17  }
0x8e: {  	[smem:$0x3FC6] =	sst s2  }
0x8f: {  	_ = 	snop  }
0x90: {  	s2 =	sld [smem:$0x3FD0];
	(tm) =	ssettm $0x1  }
0x91: {  	s18 =	sld [smem:$0x3FFB];
	_ =	sdelay $0x3  }
0x92: {  	_ =	strace s18  }
0x93: {  	s3 =	sld [smem:$0x3FFC];
	_ =	sdelay $0x3  }
0x94: {  	_ =	strace s3  }
0x95: {  	s3 =	sld [smem:$0x3FFD];
	_ =	sdelay $0x3  }
0x96: {  	_ =	strace s3  }
0x97: {  	_ =	strace $0x8FFFFFFF  }
0x98: {  	s19 =	sld [smem:$0x3FDB];
	_ =	sdelay $0x1  }
0x99: {  	s4 =	simm.s32 $_scs_section_size  }
0x9a: {  	s5 =	simm.s32 $_size__tile_overlayer_lowered;
	s6 =	simm.s32 $_tile_overlayer_lowered  }
0x9b: {  	s22 =	simm.s32 $0x1BFF;
	s21 =	sshll.u32 s6, $0x1;
	s3 =	sadd.s32 s4, s19  }
0x9c: {  	s7 =	simm.s32 $0x0;
	s20 =	sshll.u32 s5, $0x1;
	s5 =	sadd.s32 s21, s3  }
0x9d: {  	[timem:s7], [sflag:s22] =	dma.local [hbm:s5], s20  }
0x9e: {  	_ =	swait.ge [sflag:s22], s20  }
0x9f: {  	s4 =	ssub.s32 $0x0, s20;
	[sflag:s22] =	ssyncset.done $0x0  }
0xa0: {  	[sflag:s22] =	ssyncadd.s32 s4;
	_ =	sdelay $0x1  }
0xa1: {  	s23 =	simm.s32 $0x1B8B  }
0xa2: {  	_ =	swait.ge [sflag:s23], $0x1  }
0xa3: {  	[sflag:s23] =	ssyncset.done $0x0  }
0xa4: {  	s25 =	simm.s32 $0x1B8E;
	s24 =	sld [smem:$0x3FFE];
	[sflag:s23] =	ssyncadd.s32 $0xFFFFFFFF  }
0xa5: {  	s26 =	simm.s32 $execute0_lowered;
	[smem:$0x3FD2] =	sst s25  }
0xa6: {  	s5 =	sshll.u32 s26, $0x1;
	_ =	strace $0x80000046;
	[dreg:$0x1] =	wrdreg $0xFFFFFFFF  }
0xa7: {  	s28 =	simm.s32 $_size_execute0_lowered;
	s3 =	sadd.s32 s3, s5;
	[dreg:$0x0] =	wrdreg $0x0  }
0xa8: {  	s5 =	sshll.u32 s28, $0x1;
	[dreg:$0x2] =	wrdreg s3  }
0xa9: {  	[dreg:$0x3] =	wrdreg s5  }
0xaa: {  	[dreg:$0x4] =	wrdreg $0xC0  }
0xab: {  	_ =	task [dreg:s7], $0x5FFFF  }
0xac: {  	[dreg:$0x1] =	wrdreg $0xFFFFFFFF  }
0xad: {  	[dreg:$0x0] =	wrdreg $0x60  }
0xae: {  	[dreg:$0x2] =	wrdreg s24  }
0xaf: {  	[dreg:$0x3] =	wrdreg s2  }
0xb0: {  	[dreg:$0x4] =	wrdreg $0x9  }
0xb1: {  	_ =	task.clear_ibuf [dreg:s7], $0x5FFFF;
	_ =	strace $0x90000046  }
0xb2: {  	s29 =	simm.s32 $0x9;
	_ =	strace $0x80000048  }
0xb3: {  	_ =	swait.ge [sflag:s29], $0x1  }
0xb4: {  	[sflag:s29] =	ssyncadd.s32 $0xFFFFFFFF  }
0xb5: {  	_ =	strace $0x90000048  }
0xb6: {  	_ =	sfence  }
0xb7: {  	s30 =	sld [smem:$0x0];
	_ =	sdelay $0x2  }
0xb8: {  	s31 =	sshll.u32 s1, $0xD;
	s1 =	sshrl.u32 s1, $0x2  }
0xb9: {  	s3 =	sand.u32 $0x4000, s31;
	s1 =	sadd.s32 s1, s30  }
0xba: {  	s0 =	sor.u32 s3, s0;
	s1 =	sshll.u32 s1, $0x11  }
0xbb: {  	s0 =	sor.u32 s1, s0  }
0xbc: {  	s0 =	sadd.s32 $0x8F2B, s0  }
0xbd: {  	[sflag:s0] =	ssyncadd.remote.s32 $0x1  }
0xbe: {  	_ =	sfence.sel $0xFFFF  }
0xbf: {  	[dreg:$0x0] =	wrdreg $0xFFFFFFFF;
	(pc) =	sbr.abs _section_cstart, $3  }
0xc0: {  	[dreg:$0x1] =	wrdreg $0xFFFFFFFF  }
0xc1: {  	_ =	task.clear_ibuf [dreg:s7], $0x2FFFF;
	_ =	strace $0x9FFFFFFF  }
0xc2: {  	(tm) =	ssettm $0x7FFFFFFF  }
0xc3: {  	_ =	shalt  }
tec
execute0_lowered:
.L_overlay_start_1:
0x0: {  	(tag) =	ssettag $0x1  }
0x1: {  	s0 =	srdreg.scid;
	s1 =	rddreg [dreg:$0x0]  }
0x2: {  	s7 =	stileid.u32;
	s2 =	rddreg [dreg:$0x1]  }
0x3: {  	s5 =	simm.s32 $0x0;
	s8 =	simm.s32 $0xC8;
	s9 =	simm.s32 $0x6400  }
0x4: {  	s10 =	simm.s32 $0x9600;
	s12 =	simm.s32 $0xC800;
	s14 =	simm.s32 $0xFA00  }
0x5: {  	s16 =	simm.s32 $0x12C00;
	s18 =	simm.s32 $0x15E00;
	s20 =	simm.s32 $0x19000  }
0x6: {  	s28 =	simm.s32 $0x3;
	s29 =	simm.s32 $0x4;
	s30 =	simm.s32 $0x5  }
0x7: {  	s31 =	simm.s32 $0x6;
	s11 =	simm.s32 $0x9;
	s13 =	simm.s32 $0xA  }
0x8: {  	s15 =	simm.s32 $0xB;
	s17 =	simm.s32 $0xC;
	s19 =	simm.s32 $0xD  }
0x9: {  	s21 =	simm.s32 $0xE;
	s0 =	sand.u32 $0x1, s0;
	s3 =	sshll.u32 s7, $0x8  }
0xa: {  	[smem:$0x7FF] =	sst s5;
	s7 =	smul.u32 $0xC8000, s7;
	s4 =	sshll.u32 s0, $0x7  }
0xb: {  	_ =	strace $0x80000047;
	s22 =	ssub.s32 $0x2, s0;
	s0 =	smul.u32 $0x64000, s0  }
0xc: {  	s3 =	sor.u32 s4, s3;
	s6 =	sshrl.u32 s22, $0x1;
	s26 =	sadd.s32 s7, s2  }
0xd: {  	s2 =	simm.s32 $0xF;
	s4 =	simm.s32 $0x10;
	s3 =	smul.u32 $0x19, s3  }
0xe: {  	s24 =	ssub.s32 s22, s6;
	s0 =	sadd.s32 s0, s26;
	s22 =	simm.s32 $0x1C200  }
.Ltmp0:
0xf: {  	s26 =	simm.s32 $0x2;
	s6 =	simm.s32 $0x0;
	(pc) =	sbr.rel .LBB2_1-.Ltmp0, $4  }
0x10: {  	[dreg:$0x5] =	wrdreg s0;
	s0 =	simm.s32 $0x8;
	s23 =	sadd.s32 s3, s1  }
0x11: {  	s3 =	sadd.s32 $0xF42A00, s1;
	s1 =	smax.u32 s24, $0x1;
	s24 =	simm.s32 $0x40  }
0x12: {  	s25 =	sadd.s32 $0x600, s23;
	[dreg:$0x4] =	wrdreg s1;
	s23 =	simm.s32 $0x1  }
0x13: {  	s1 =	simm.s32 $0x7;
	[dreg:$0x3] =	wrdreg s25;
	s25 =	simm.s32 $0x80  }
.LBB2_4:
0x14: {  	_ =	swait.ge [sflag:s13], $0x3200  }
0x15: {  	[sflag:s13] =	ssyncset.done $0x0  }
0x16: {  	[sflag:s13] =	ssyncadd.s32 $0xFFFFCE00  }
0x17: {  	_ =	swait.ge [sflag:s15], $0x3200  }
0x18: {  	[sflag:s15] =	ssyncset.done $0x0  }
0x19: {  	[sflag:s15] =	ssyncadd.s32 $0xFFFFCE00  }
0x1a: {  	_ =	swait.ge [sflag:s17], $0x3200  }
0x1b: {  	[sflag:s17] =	ssyncset.done $0x0  }
0x1c: {  	[sflag:s17] =	ssyncadd.s32 $0xFFFFCE00  }
0x1d: {  	_ =	swait.ge [sflag:s19], $0x3200  }
0x1e: {  	[sflag:s19] =	ssyncset.done $0x0  }
0x1f: {  	[sflag:s19] =	ssyncadd.s32 $0xFFFFCE00  }
0x20: {  	_ =	swait.ge [sflag:s21], $0x3200  }
0x21: {  	[sflag:s21] =	ssyncset.done $0x0  }
0x22: {  	[sflag:s21] =	ssyncadd.s32 $0xFFFFCE00  }
0x23: {  	_ =	swait.ge [sflag:s2], $0x3200  }
0x24: {  	[sflag:s2] =	ssyncset.done $0x0  }
0x25: {  	[sflag:s2] =	ssyncadd.s32 $0xFFFFCE00  }
0x26: {  	_ =	swait.ge [sflag:s4], $0x3200  }
0x27: {  	s6 =	rddreg [dreg:$0x6]  }
0x28: {  	s5 =	rddreg [dreg:$0x4];
	s6 =	sadd.s32 $0x1, s6  }
0x29: {  	p0 =	sne.s32 s6, s5  }
.Ltmp1:
0x2a: {  	_ = 	snop;
	(pc) =	sbr.rel @!p0 .LBB2_5-.Ltmp1, $3  }
0x2b: {  	_ =	sdelay $0x1  }
0x2c: {  	[sflag:s4] =	ssyncset.done $0x0  }
0x2d: {  	[sflag:s4] =	ssyncadd.s32 $0xFFFFCE00  }
.LBB2_1:
0x2e: {  	s5 =	simm.s32 $0x0;
	s7 =	rddreg [dreg:$0x3]  }
0x2f: {  	[tilespmem:s5], [sflag:$0x11] =	stream.linear.gather [hbm4b:s7+s5], $0x6400, $0x38;
	[tilespmem:$0x1F400] =	vst v63  }
0x30: {  	[dreg:$0x6] =	wrdreg s6;
	s7 =	simm.s32 $0x11  }
0x31: {  	_ =	swait.ge [sflag:s7], $0x6400  }
0x32: {  	[sflag:s7] =	ssyncset.done $0x0  }
0x33: {  	[sflag:s7] =	ssyncadd.s32 $0xFFFF9C00  }
0x34: {  	[tilespmem:s9], [sflag:$0x1] =	stream.indirect.gather [hbm4b:s3+s8], $0x40, s5, s8, $0xb8;
	[tilespmem:$0x1F400] =	vst v63  }
0x35: {  	_ = 	snop  }
0x36: {  	[tilespmem:s10], [sflag:$0x2] =	stream.indirect.gather [hbm4b:s3+s8], $0x40, s8, s8, $0xb8;
	[tilespmem:$0x1F400] =	vst v63  }
0x37: {  	s6 =	simm.s32 $0x190  }
0x38: {  	[tilespmem:s12], [sflag:$0x3] =	stream.indirect.gather [hbm4b:s3+s8], $0x40, s6, s8, $0xb8;
	[tilespmem:$0x1F400] =	vst v63  }
0x39: {  	s7 =	simm.s32 $0x258  }
0x3a: {  	[tilespmem:s14], [sflag:$0x4] =	stream.indirect.gather [hbm4b:s3+s8], $0x40, s7, s8, $0xb8;
	[tilespmem:$0x1F400] =	vst v63  }
0x3b: {  	s6 =	simm.s32 $0x320  }
0x3c: {  	[tilespmem:s16], [sflag:$0x5] =	stream.indirect.gather [hbm4b:s3+s8], $0x40, s6, s8, $0xb8;
	[tilespmem:$0x1F400] =	vst v63  }
0x3d: {  	s7 =	simm.s32 $0x3E8  }
0x3e: {  	[tilespmem:s18], [sflag:$0x6] =	stream.indirect.gather [hbm4b:s3+s8], $0x40, s7, s8, $0xb8;
	[tilespmem:$0x1F400] =	vst v63  }
0x3f: {  	s6 =	simm.s32 $0x4B0  }
0x40: {  	[tilespmem:s20], [sflag:$0x7] =	stream.indirect.gather [hbm4b:s3+s8], $0x40, s6, s8, $0xb8;
	[tilespmem:$0x1F400] =	vst v63  }
0x41: {  	s7 =	simm.s32 $0x578  }
0x42: {  	[tilespmem:s22], [sflag:$0x8] =	stream.indirect.gather [hbm4b:s3+s8], $0x40, s7, s8, $0xb8;
	[tilespmem:$0x1F400] =	vst v63  }
0x43: {  	s6 =	rddreg [dreg:$0x5];
	s7 =	simm.s32 $0x0  }
.LBB2_2:
0x44: {  	_ =	swait.ge [sflag:s23], $0x3200  }
0x45: {  	[sflag:s23] =	ssyncset.done $0x0  }
0x46: {  	[sflag:s23] =	ssyncadd.s32 $0xFFFFCE00  }
0x47: {  	[hbm4b:s6+s24] =	stream.strided.scatter [tilespmem:s9], [sflag:$0x9], $0x3200, s25, s24, $0x38;
	[tilespmem:$0x1F400] =	vst v63  }
0x48: {  	_ =	swait.ge [sflag:s26], $0x3200  }
0x49: {  	[sflag:s26] =	ssyncset.done $0x0  }
0x4a: {  	s5 =	sadd.s32 $0xC80, s6;
	[sflag:s26] =	ssyncadd.s32 $0xFFFFCE00  }
0x4b: {  	[hbm4b:s5+s24] =	stream.strided.scatter [tilespmem:s10], [sflag:$0xA], $0x3200, s25, s24, $0x38;
	[tilespmem:$0x1F400] =	vst v63  }
0x4c: {  	_ =	swait.ge [sflag:s28], $0x3200  }
0x4d: {  	[sflag:s28] =	ssyncset.done $0x0  }
0x4e: {  	s5 =	sadd.s32 $0x1900, s6;
	[sflag:s28] =	ssyncadd.s32 $0xFFFFCE00  }
0x4f: {  	[hbm4b:s5+s24] =	stream.strided.scatter [tilespmem:s12], [sflag:$0xB], $0x3200, s25, s24, $0x38;
	[tilespmem:$0x1F400] =	vst v63  }
0x50: {  	_ =	swait.ge [sflag:s29], $0x3200  }
0x51: {  	[sflag:s29] =	ssyncset.done $0x0  }
0x52: {  	s5 =	sadd.s32 $0x2580, s6;
	[sflag:s29] =	ssyncadd.s32 $0xFFFFCE00  }
0x53: {  	[hbm4b:s5+s24] =	stream.strided.scatter [tilespmem:s14], [sflag:$0xC], $0x3200, s25, s24, $0x38;
	[tilespmem:$0x1F400] =	vst v63  }
0x54: {  	_ =	swait.ge [sflag:s30], $0x3200  }
0x55: {  	[sflag:s30] =	ssyncset.done $0x0  }
0x56: {  	s5 =	sadd.s32 $0x3200, s6;
	[sflag:s30] =	ssyncadd.s32 $0xFFFFCE00  }
0x57: {  	[hbm4b:s5+s24] =	stream.strided.scatter [tilespmem:s16], [sflag:$0xD], $0x3200, s25, s24, $0x38;
	[tilespmem:$0x1F400] =	vst v63  }
0x58: {  	_ =	swait.ge [sflag:s31], $0x3200  }
0x59: {  	[sflag:s31] =	ssyncset.done $0x0  }
0x5a: {  	s5 =	sadd.s32 $0x3E80, s6;
	[sflag:s31] =	ssyncadd.s32 $0xFFFFCE00  }
0x5b: {  	[hbm4b:s5+s24] =	stream.strided.scatter [tilespmem:s18], [sflag:$0xE], $0x3200, s25, s24, $0x38;
	[tilespmem:$0x1F400] =	vst v63  }
0x5c: {  	_ =	swait.ge [sflag:s1], $0x3200  }
0x5d: {  	[sflag:s1] =	ssyncset.done $0x0  }
0x5e: {  	s5 =	sadd.s32 $0x4B00, s6;
	[sflag:s1] =	ssyncadd.s32 $0xFFFFCE00  }
0x5f: {  	[hbm4b:s5+s24] =	stream.strided.scatter [tilespmem:s20], [sflag:$0xF], $0x3200, s25, s24, $0x38;
	[tilespmem:$0x1F400] =	vst v63  }
0x60: {  	_ =	swait.ge [sflag:s0], $0x3200  }
0x61: {  	p0 =	seq.s32 s7, $0x17700;
	[sflag:s0] =	ssyncset.done $0x0  }
.Ltmp2:
0x62: {  	s5 =	sadd.s32 $0x5780, s6;
	[sflag:s0] =	ssyncadd.s32 $0xFFFFCE00;
	(pc) =	sbr.rel @p0 .LBB2_4-.Ltmp2, $4  }
0x63: {  	[hbm4b:s5+s24] =	stream.strided.scatter [tilespmem:s22], [sflag:$0x10], $0x3200, s25, s24, $0x38;
	[tilespmem:$0x1F400] =	vst v63  }
0x64: {  	_ =	swait.ge [sflag:s11], $0x3200  }
0x65: {  	[sflag:s11] =	ssyncset.done $0x0  }
0x66: {  	[sflag:s11] =	ssyncadd.s32 $0xFFFFCE00  }
0x67: {  	s5 =	sshra.s32 s7, $0x2  }
0x68: {  	s10 =	simm.s32 $0x6400;
	s9 =	sadd.s32 $0x640, s5  }
0x69: {  	[tilespmem:s10], [sflag:$0x1] =	stream.indirect.gather [hbm4b:s3+s8], $0x40, s9, s8, $0xb8;
	[tilespmem:$0x1F400] =	vst v63  }
0x6a: {  	_ =	swait.ge [sflag:s13], $0x3200  }
0x6b: {  	[sflag:s13] =	ssyncset.done $0x0  }
0x6c: {  	s10 =	simm.s32 $0x9600;
	s9 =	sadd.s32 $0x708, s5;
	[sflag:s13] =	ssyncadd.s32 $0xFFFFCE00  }
0x6d: {  	[tilespmem:s10], [sflag:$0x2] =	stream.indirect.gather [hbm4b:s3+s8], $0x40, s9, s8, $0xb8;
	[tilespmem:$0x1F400] =	vst v63  }
0x6e: {  	_ =	swait.ge [sflag:s15], $0x3200  }
0x6f: {  	[sflag:s15] =	ssyncset.done $0x0  }
0x70: {  	s9 =	sadd.s32 $0x7D0, s5;
	[sflag:s15] =	ssyncadd.s32 $0xFFFFCE00  }
0x71: {  	[tilespmem:s12], [sflag:$0x3] =	stream.indirect.gather [hbm4b:s3+s8], $0x40, s9, s8, $0xb8;
	[tilespmem:$0x1F400] =	vst v63  }
0x72: {  	_ =	swait.ge [sflag:s17], $0x3200  }
0x73: {  	[sflag:s17] =	ssyncset.done $0x0  }
0x74: {  	s9 =	sadd.s32 $0x898, s5;
	[sflag:s17] =	ssyncadd.s32 $0xFFFFCE00  }
0x75: {  	[tilespmem:s14], [sflag:$0x4] =	stream.indirect.gather [hbm4b:s3+s8], $0x40, s9, s8, $0xb8;
	[tilespmem:$0x1F400] =	vst v63  }
0x76: {  	_ =	swait.ge [sflag:s19], $0x3200  }
0x77: {  	[sflag:s19] =	ssyncset.done $0x0  }
0x78: {  	s9 =	sadd.s32 $0x960, s5;
	[sflag:s19] =	ssyncadd.s32 $0xFFFFCE00  }
0x79: {  	[tilespmem:s16], [sflag:$0x5] =	stream.indirect.gather [hbm4b:s3+s8], $0x40, s9, s8, $0xb8;
	[tilespmem:$0x1F400] =	vst v63  }
0x7a: {  	_ =	swait.ge [sflag:s21], $0x3200  }
0x7b: {  	[sflag:s21] =	ssyncset.done $0x0  }
0x7c: {  	s9 =	sadd.s32 $0xA28, s5;
	[sflag:s21] =	ssyncadd.s32 $0xFFFFCE00  }
0x7d: {  	[tilespmem:s18], [sflag:$0x6] =	stream.indirect.gather [hbm4b:s3+s8], $0x40, s9, s8, $0xb8;
	[tilespmem:$0x1F400] =	vst v63  }
0x7e: {  	_ =	swait.ge [sflag:s2], $0x3200  }
0x7f: {  	[sflag:s2] =	ssyncset.done $0x0  }
0x80: {  	s9 =	sadd.s32 $0xAF0, s5;
	[sflag:s2] =	ssyncadd.s32 $0xFFFFCE00  }
0x81: {  	[tilespmem:s20], [sflag:$0x7] =	stream.indirect.gather [hbm4b:s3+s8], $0x40, s9, s8, $0xb8;
	[tilespmem:$0x1F400] =	vst v63  }
.Ltmp3:
0x82: {  	_ = 	snop;
	(pc) =	sbr.rel .LBB2_2-.Ltmp3, $4  }
0x83: {  	_ =	swait.ge [sflag:s4], $0x3200  }
0x84: {  	s7 =	sadd.s32 $0x1900, s7;
	s6 =	sadd.s32 $0x6400, s6;
	[sflag:s4] =	ssyncset.done $0x0  }
0x85: {  	s5 =	sadd.s32 $0xBB8, s5;
	s9 =	simm.s32 $0x6400;
	[sflag:s4] =	ssyncadd.s32 $0xFFFFCE00  }
0x86: {  	[tilespmem:s22], [sflag:$0x8] =	stream.indirect.gather [hbm4b:s3+s8], $0x40, s5, s8, $0xb8;
	[tilespmem:$0x1F400] =	vst v63  }
.LBB2_5:
0x87: {  	_ =	sfence.sel $0x180000  }
0x88: {  	[bflag:$0x0] =	sbarrier.arrive $0xFFFF  }
0x89: {  	_ =	strace $0x90000047  }
0x8a: {  	s0 =	stileid.u32;
	[bflag:$0x2] =	sbarrier.arrive $0xFFFF  }
0x8b: {  	p0 =	sne.s32 s0, $0x0;
	s0 =	rddreg [dreg:$0x2]  }
0x8c: {  	s0 =	sadd.s32 @!p0 $0x100000, s0  }
0x8d: {  	[sflag:s0] =	ssyncadd.tile.s32 @!p0 $0x1;
	_ =	shalt  }
.Lfunc_end2:
_tile_overlayer_lowered:
.L_overlay_start_2:
0x8e: {  	(tag) =	ssettag $0x2  }
0x8f: {  	s0 =	rddreg [dreg:$0x0];
	s2 =	stileid.u32  }
0x90: {  	s1 =	rddreg [dreg:$0x1];
	p0 =	sne.s32 s2, $0x0  }
0x91: {  	s3 =	rddreg [dreg:$0x2];
	[bflag:$0x3] =	sbarrier.arrive $0xFFFF;
	s2 =	simm.s32 @!p0 $0x1C11  }
0x92: {  	[timem:s3], [sflag:s2] =	dma.local @!p0 [hbm:s0], s1  }
0x93: {  	s0 =	simm.s32 @!p0 $0x11  }
0x94: {  	_ =	swait.ge @!p0 [sflag:s0], s1  }
0x95: {  	s1 =	ssub.s32 @!p0 $0x0, s1;
	[sflag:s0] =	ssyncset.done @!p0 $0x0  }
0x96: {  	[sflag:s0] =	ssyncadd.s32 @!p0 s1  }
0x97: {  	[bflag:$0x3] =	sbarrier.arrive $0xFFFF  }
0x98: {  	_ =	shalt  }

</sc_bundles>
